<compile_context>
chip_gen: v7x
topology: tpu7x:2x2x1
jax: 0.10.2.dev20260603
libtpu: 0.0.44.dev20260713+nightly
codegen_flags: <defaults>
</compile_context>

<pallas_src>
import functools

import jax
import jax.numpy as jnp
from jax import lax
from jax.experimental import pallas as pl
from jax.experimental.pallas import tpu as pltpu
from jax.experimental.pallas import tpu_sc as plsc

_COMMITMENT = 0.25
_EPS = 1e-12


def _wprep_kernel(w1_ref, wf_ref, wa_ref, wn_ref):
    w = w1_ref[...]
    n2 = jnp.sum(w * w, axis=1, keepdims=True)
    wn = w / jnp.maximum(jnp.sqrt(n2), _EPS)
    wsq = jnp.sum(wn * wn, axis=1, keepdims=True)
    wa_ref[...] = jnp.concatenate(
        [-2.0 * wn, wsq, jnp.ones_like(wsq)], axis=1)

    wf = wf_ref[...]
    nf2 = jnp.sum(wf * wf, axis=1, keepdims=True)
    wnf = wf / jnp.maximum(jnp.sqrt(nf2), _EPS)
    wn_ref[...] = jnp.concatenate([wnf, jnp.zeros_like(wnf)], axis=1)


def _vq_tile_kernel(x_ref, w_ref, loss_ref, idx_ref):
    wa = w_ref[...]

    x = x_ref[0]
    xn2 = jnp.sum(x * x, axis=0, keepdims=True)
    xn = x / jnp.maximum(jnp.sqrt(xn2), _EPS)
    xsq = jnp.sum(xn * xn, axis=0, keepdims=True)
    xa = jnp.concatenate([xn, jnp.ones_like(xsq), xsq], axis=0)

    dist = jnp.dot(wa, xa, preferred_element_type=jnp.float32)

    idx0 = jnp.argmin(dist, axis=0)
    minv = jnp.min(dist, axis=0)

    loss_ref[0, 0, :] = ((1.0 + _COMMITMENT) / 64.0) * minv
    idx_ref[0, 0, :] = (idx0 + 1).astype(jnp.int32)


def _sc_lookup(table_hbm, idx_hbm, out_hbm, idx_v, rows_v, sem, *,
               nc, b_per_w, chunk):
    wid = lax.axis_index("s") * nc + lax.axis_index("c")
    base = wid * b_per_w
    for ci in range(b_per_w // chunk):
        off = base + ci * chunk
        pltpu.sync_copy(idx_hbm.at[pl.ds(off, chunk)], idx_v)
        pltpu.async_copy(table_hbm.at[idx_v], rows_v, sem).wait()
        pltpu.sync_copy(rows_v, out_hbm.at[pl.ds(off, chunk)])


def kernel(inputs, W):
    B, C, nz, nt, nr = inputs.shape
    S = nz * nt * nr
    x3 = inputs.reshape(B, C, S)
    W1 = W[1:]
    K = W1.shape[0]

    wa, wn = pl.pallas_call(
        _wprep_kernel,
        out_shape=[
            jax.ShapeDtypeStruct((K, C + 2), jnp.float32),
            jax.ShapeDtypeStruct((K + 1, 2 * C), jnp.float32),
        ],
    )(W1, W)

    T = 8192

    tc_call = pl.pallas_call(
        _vq_tile_kernel,
        grid=(S // T,),
        in_specs=[
            pl.BlockSpec((1, C, T), lambda t: (0, 0, t)),
            pl.BlockSpec((K, C + 2), lambda t: (0, 0)),
        ],
        out_specs=[
            pl.BlockSpec((1, 1, T), lambda t: (0, 0, t)),
            pl.BlockSpec((1, 1, T), lambda t: (0, 0, t)),
        ],
        out_shape=[
            jax.ShapeDtypeStruct((1, 1, S), jnp.float32),
            jax.ShapeDtypeStruct((1, 1, S), jnp.int32),
        ],
        compiler_params=pltpu.CompilerParams(
            dimension_semantics=("parallel",)),
    )

    info = plsc.get_sparse_core_info()
    nc, ns = info.num_cores, info.num_subcores
    nw = nc * ns
    b_per_w = S // nw
    chunk = min(b_per_w, 512)

    body = functools.partial(_sc_lookup, nc=nc, b_per_w=b_per_w, chunk=chunk)
    sc_call = pl.kernel(
        body,
        mesh=plsc.VectorSubcoreMesh(core_axis_name="c", subcore_axis_name="s"),
        out_type=jax.ShapeDtypeStruct((S, 2 * C), jnp.float32),
        scratch_types=[
            pltpu.VMEM((chunk,), jnp.int32),
            pltpu.VMEM((chunk, 2 * C), jnp.float32),
            pltpu.SemaphoreType.DMA,
        ],
    )

    loss_parts, idx_parts, q_parts = [], [], []
    for b in range(B):
        loss_b, idx_b = tc_call(x3[b:b + 1], wa)
        qtok_b = sc_call(wn, idx_b.reshape(S))
        q_parts.append(qtok_b[:, :C].T)
        loss_parts.append(loss_b)
        idx_parts.append(idx_b)

    quantized_out = jnp.stack(q_parts).reshape(B, C, nz, nt, nr)
    vq_loss_spatial = jnp.concatenate(loss_parts).reshape(B, nz, nt, nr)
    spatial_indices = jnp.concatenate(idx_parts).reshape(B, nz, nt, nr)
    return quantized_out, vq_loss_spatial, spatial_indices

# --- scband reference (transcript-rebuilt; emitter-appended) ---
"""Pipeline reference for scband-spherical-vq-73761768341895 (READ-ONLY COPY).

The authoritative reference and input builder live on the scoring server;
editing this copy changes nothing except your own understanding.
"""

import jax, jax.numpy as jnp
import numpy as np

NUM_EMBEDDINGS = 1024
EMBEDDING_DIM = 64
COMMITMENT_COST = 0.25


def setup_inputs(seed: int = 0) -> dict:
    key = jax.random.key(seed)
    k1, k2 = jax.random.split(key)
    inputs = jax.random.normal(k1, (4, EMBEDDING_DIM, 16, 32, 32), dtype=jnp.float32)
    init_bound = 1.0 / NUM_EMBEDDINGS
    W = jax.random.uniform(k2, (NUM_EMBEDDINGS + 1, EMBEDDING_DIM), minval=-init_bound, maxval=init_bound, dtype=jnp.float32)
    W = W.at[0].set(0.0)  # padding_idx=0 row zeroed, as in torch init
    return {"inputs": inputs, "W": W}


def _l2_normalize(x, eps=1e-12):
    # matches torch F.normalize(p=2, dim=1, eps): x / max(||x||, eps)
    n = jnp.sqrt(jnp.sum(x * x, axis=1, keepdims=True))
    return x / jnp.maximum(n, eps)


def reference(inputs, W):
    B, C, nz, n_theta, n_R = inputs.shape
    inputs_permuted = jnp.transpose(inputs, (0, 2, 3, 4, 1))
    flat_inputs = inputs_permuted.reshape(-1, C)
    flat_inputs_norm = _l2_normalize(flat_inputs)
    weight_norm = _l2_normalize(W)
    distances = (jnp.sum(flat_inputs_norm ** 2, axis=1, keepdims=True)
                 + jnp.sum(weight_norm ** 2, axis=1)
                 - 2.0 * jnp.matmul(flat_inputs_norm, weight_norm.T))
    encoding_indices = jnp.argmin(distances[:, 1:], axis=1) + 1  # skip padding code 0
    quantized_norm = jnp.take(weight_norm, encoding_indices, axis=0).reshape(inputs_permuted.shape)
    flat_inputs_norm_5d = flat_inputs_norm.reshape(inputs_permuted.shape)
    vq_loss_unreduced = ((jax.lax.stop_gradient(quantized_norm) - flat_inputs_norm_5d) ** 2
                         + COMMITMENT_COST * (quantized_norm - jax.lax.stop_gradient(flat_inputs_norm_5d)) ** 2)
    vq_loss_spatial = jnp.mean(vq_loss_unreduced, axis=-1)
    quantized_out = flat_inputs_norm_5d + jax.lax.stop_gradient(quantized_norm - flat_inputs_norm_5d)
    quantized_out = jnp.transpose(quantized_out, (0, 4, 1, 2, 3))
    spatial_indices = encoding_indices.reshape(B, nz, n_theta, n_R)
    return (quantized_out, vq_loss_spatial, spatial_indices)

if __name__ == "__main__":
    import jax
    _d = setup_inputs()
    print(jax.jit(kernel)(*tuple(_d.values())))

</pallas_src>

<mosaic_0001>
#map = affine_map<(d0, d1) -> (0, 0)>
#map1 = affine_map<(d0, d1) -> (0)>
module attributes {stable_mosaic.version = 14 : i64} {
  func.func @_sc_lookup(%arg0: i32, %arg1: i32, %arg2: memref<1025x128xf32, #tpu.memory_space<hbm>>, %arg3: memref<16384xi32, #tpu.memory_space<hbm>>, %arg4: memref<16384x128xf32, #tpu.memory_space<hbm>>, %arg5: memref<512xi32, #tpu.memory_space<vmem>>, %arg6: memref<512x128xf32, #tpu.memory_space<vmem>>, %arg7: memref<!tpu.dma_semaphore, #tpu.memory_space<semaphore_mem>>) attributes {dimension_semantics = [#tpu.dimension_semantics<core_parallel>, #tpu.dimension_semantics<subcore_parallel>], iteration_bounds = array<i64: 2, 16>, scalar_prefetch = 0 : i64, scratch_operands = 3 : i64, tpu.core_type = #tpu.core_type<sc_vector_subcore>, window_params = [{transform_indices = #map}, {transform_indices = #map1}, {transform_indices = #map}]} {
    %mul3A = arith.constant 2 : i32
    %mul3A_0 = arith.muli %arg1, %mul3A : i32
    %add3A = arith.addi %mul3A_0, %arg0 : i32
    %mul3A_1 = arith.constant 512 : i32
    %mul3A_2 = arith.muli %add3A, %mul3A_1 : i32
    %add3A_3 = arith.constant 0 : i32
    %add3A_4 = arith.addi %mul3A_2, %add3A_3 : i32
    "tpu.region"() ({
      %run_scoped3A = tpu.sem_alloc : memref<!tpu.dma_semaphore, #tpu.memory_space<semaphore_mem>>
      %dma_start3A_9 = tpu.memref_slice %arg3[%add3A_4] : memref<16384xi32, #tpu.memory_space<hbm>> -> memref<512xi32, #tpu.memory_space<hbm>>
      %dma_start3A_10 = tpu.memref_slice %arg3[%add3A_4] : memref<16384xi32, #tpu.memory_space<hbm>> -> memref<512xi32, #tpu.memory_space<hbm>>
      tpu.enqueue_dma source(%dma_start3A_10 : memref<512xi32, #tpu.memory_space<hbm>>) target(%arg5 : memref<512xi32, #tpu.memory_space<vmem>>) target_semaphore(%run_scoped3A : memref<!tpu.dma_semaphore, #tpu.memory_space<semaphore_mem>>)
      %dma_wait3A_11 = tpu.memref_slice %arg3[%add3A_4] : memref<16384xi32, #tpu.memory_space<hbm>> -> memref<512xi32, #tpu.memory_space<hbm>>
      %dma_wait3A_12 = tpu.memref_slice %arg3[%add3A_4] : memref<16384xi32, #tpu.memory_space<hbm>> -> memref<512xi32, #tpu.memory_space<hbm>>
      tpu.wait_dma2 semaphore(%run_scoped3A : memref<!tpu.dma_semaphore, #tpu.memory_space<semaphore_mem>>) src(%dma_wait3A_12 : memref<512xi32, #tpu.memory_space<hbm>>) dst(%arg5 : memref<512xi32, #tpu.memory_space<vmem>>)
      tpu.yield
    }) : () -> ()
    %dma_start3A = arith.constant 0 : i32
    %dma_start3A_5 = arith.constant 0 : i32
    %dma_start3A_6 = tpu.memref_slice %arg2[%dma_start3A, %dma_start3A_5] : memref<1025x128xf32, #tpu.memory_space<hbm>> -> memref<1025x128xf32, #tpu.memory_space<hbm>>
    tpu.enqueue_indirect_dma source(%dma_start3A_6 : memref<1025x128xf32, #tpu.memory_space<hbm>>) target(%arg6 : memref<512x128xf32, #tpu.memory_space<vmem>>) offsets(%arg5 : memref<512xi32, #tpu.memory_space<vmem>>) semaphore(%arg7 : memref<!tpu.dma_semaphore, #tpu.memory_space<semaphore_mem>>)
    %dma_wait3A = arith.constant 0 : i32
    %dma_wait3A_7 = arith.constant 0 : i32
    %dma_wait3A_8 = tpu.memref_slice %arg2[%dma_wait3A, %dma_wait3A_7] : memref<1025x128xf32, #tpu.memory_space<hbm>> -> memref<1025x128xf32, #tpu.memory_space<hbm>>
    tpu.wait_indirect_dma semaphore(%arg7 : memref<!tpu.dma_semaphore, #tpu.memory_space<semaphore_mem>>) src(%dma_wait3A_8 : memref<1025x128xf32, #tpu.memory_space<hbm>>) dst(%arg6 : memref<512x128xf32, #tpu.memory_space<vmem>>)
    "tpu.region"() ({
      %run_scoped3A = tpu.sem_alloc : memref<!tpu.dma_semaphore, #tpu.memory_space<semaphore_mem>>
      %dma_start3A_9 = arith.constant 0 : i32
      %dma_start3A_10 = tpu.memref_slice %arg4[%add3A_4, %dma_start3A_9] : memref<16384x128xf32, #tpu.memory_space<hbm>> -> memref<512x128xf32, #tpu.memory_space<hbm>>
      %dma_start3A_11 = arith.constant 0 : i32
      %dma_start3A_12 = tpu.memref_slice %arg4[%add3A_4, %dma_start3A_11] : memref<16384x128xf32, #tpu.memory_space<hbm>> -> memref<512x128xf32, #tpu.memory_space<hbm>>
      tpu.enqueue_dma source(%arg6 : memref<512x128xf32, #tpu.memory_space<vmem>>) target(%dma_start3A_12 : memref<512x128xf32, #tpu.memory_space<hbm>>) target_semaphore(%run_scoped3A : memref<!tpu.dma_semaphore, #tpu.memory_space<semaphore_mem>>)
      %dma_wait3A_13 = arith.constant 0 : i32
      %dma_wait3A_14 = tpu.memref_slice %arg4[%add3A_4, %dma_wait3A_13] : memref<16384x128xf32, #tpu.memory_space<hbm>> -> memref<512x128xf32, #tpu.memory_space<hbm>>
      %dma_wait3A_15 = arith.constant 0 : i32
      %dma_wait3A_16 = tpu.memref_slice %arg4[%add3A_4, %dma_wait3A_15] : memref<16384x128xf32, #tpu.memory_space<hbm>> -> memref<512x128xf32, #tpu.memory_space<hbm>>
      tpu.wait_dma2 semaphore(%run_scoped3A : memref<!tpu.dma_semaphore, #tpu.memory_space<semaphore_mem>>) src(%arg6 : memref<512x128xf32, #tpu.memory_space<vmem>>) dst(%dma_wait3A_16 : memref<512x128xf32, #tpu.memory_space<hbm>>)
      tpu.yield
    }) : () -> ()
    return
  }
}

#map = affine_map<(d0, d1) -> (0, 0)>
#map1 = affine_map<(d0, d1) -> (0)>
module attributes {stable_mosaic.version = 14 : i64} {
  func.func @_sc_lookup(%arg0: i32, %arg1: i32, %arg2: memref<1025x128xf32, #tpu.memory_space<hbm>>, %arg3: memref<16384xi32, #tpu.memory_space<hbm>>, %arg4: memref<16384x128xf32, #tpu.memory_space<hbm>>, %arg5: memref<512xi32, #tpu.memory_space<vmem>>, %arg6: memref<512x128xf32, #tpu.memory_space<vmem>>, %arg7: memref<!tpu.dma_semaphore, #tpu.memory_space<semaphore_mem>>) attributes {dimension_semantics = [#tpu.dimension_semantics<core_parallel>, #tpu.dimension_semantics<subcore_parallel>], iteration_bounds = array<i64: 2, 16>, scalar_prefetch = 0 : i64, scratch_operands = 3 : i64, tpu.core_type = #tpu.core_type<sc_vector_subcore>, window_params = [{transform_indices = #map}, {transform_indices = #map1}, {transform_indices = #map}]} {
    %mul3A = arith.constant 2 : i32
    %mul3A_0 = arith.muli %arg1, %mul3A : i32
    %add3A = arith.addi %mul3A_0, %arg0 : i32
    %mul3A_1 = arith.constant 512 : i32
    %mul3A_2 = arith.muli %add3A, %mul3A_1 : i32
    %add3A_3 = arith.constant 0 : i32
    %add3A_4 = arith.addi %mul3A_2, %add3A_3 : i32
    "tpu.region"() ({
      %run_scoped3A = tpu.sem_alloc : memref<!tpu.dma_semaphore, #tpu.memory_space<semaphore_mem>>
      %dma_start3A_9 = tpu.memref_slice %arg3[%add3A_4] : memref<16384xi32, #tpu.memory_space<hbm>> -> memref<512xi32, #tpu.memory_space<hbm>>
      %dma_start3A_10 = tpu.memref_slice %arg3[%add3A_4] : memref<16384xi32, #tpu.memory_space<hbm>> -> memref<512xi32, #tpu.memory_space<hbm>>
      tpu.enqueue_dma source(%dma_start3A_10 : memref<512xi32, #tpu.memory_space<hbm>>) target(%arg5 : memref<512xi32, #tpu.memory_space<vmem>>) target_semaphore(%run_scoped3A : memref<!tpu.dma_semaphore, #tpu.memory_space<semaphore_mem>>)
      %dma_wait3A_11 = tpu.memref_slice %arg3[%add3A_4] : memref<16384xi32, #tpu.memory_space<hbm>> -> memref<512xi32, #tpu.memory_space<hbm>>
      %dma_wait3A_12 = tpu.memref_slice %arg3[%add3A_4] : memref<16384xi32, #tpu.memory_space<hbm>> -> memref<512xi32, #tpu.memory_space<hbm>>
      tpu.wait_dma2 semaphore(%run_scoped3A : memref<!tpu.dma_semaphore, #tpu.memory_space<semaphore_mem>>) src(%dma_wait3A_12 : memref<512xi32, #tpu.memory_space<hbm>>) dst(%arg5 : memref<512xi32, #tpu.memory_space<vmem>>)
      tpu.yield
    }) : () -> ()
    %dma_start3A = arith.constant 0 : i32
    %dma_start3A_5 = arith.constant 0 : i32
    %dma_start3A_6 = tpu.memref_slice %arg2[%dma_start3A, %dma_start3A_5] : memref<1025x128xf32, #tpu.memory_space<hbm>> -> memref<1025x128xf32, #tpu.memory_space<hbm>>
    tpu.enqueue_indirect_dma source(%dma_start3A_6 : memref<1025x128xf32, #tpu.memory_space<hbm>>) target(%arg6 : memref<512x128xf32, #tpu.memory_space<vmem>>) offsets(%arg5 : memref<512xi32, #tpu.memory_space<vmem>>) semaphore(%arg7 : memref<!tpu.dma_semaphore, #tpu.memory_space<semaphore_mem>>)
    %dma_wait3A = arith.constant 0 : i32
    %dma_wait3A_7 = arith.constant 0 : i32
    %dma_wait3A_8 = tpu.memref_slice %arg2[%dma_wait3A, %dma_wait3A_7] : memref<1025x128xf32, #tpu.memory_space<hbm>> -> memref<1025x128xf32, #tpu.memory_space<hbm>>
    tpu.wait_indirect_dma semaphore(%arg7 : memref<!tpu.dma_semaphore, #tpu.memory_space<semaphore_mem>>) src(%dma_wait3A_8 : memref<1025x128xf32, #tpu.memory_space<hbm>>) dst(%arg6 : memref<512x128xf32, #tpu.memory_space<vmem>>)
    "tpu.region"() ({
      %run_scoped3A = tpu.sem_alloc : memref<!tpu.dma_semaphore, #tpu.memory_space<semaphore_mem>>
      %dma_start3A_9 = arith.constant 0 : i32
      %dma_start3A_10 = tpu.memref_slice %arg4[%add3A_4, %dma_start3A_9] : memref<16384x128xf32, #tpu.memory_space<hbm>> -> memref<512x128xf32, #tpu.memory_space<hbm>>
      %dma_start3A_11 = arith.constant 0 : i32
      %dma_start3A_12 = tpu.memref_slice %arg4[%add3A_4, %dma_start3A_11] : memref<16384x128xf32, #tpu.memory_space<hbm>> -> memref<512x128xf32, #tpu.memory_space<hbm>>
      tpu.enqueue_dma source(%arg6 : memref<512x128xf32, #tpu.memory_space<vmem>>) target(%dma_start3A_12 : memref<512x128xf32, #tpu.memory_space<hbm>>) target_semaphore(%run_scoped3A : memref<!tpu.dma_semaphore, #tpu.memory_space<semaphore_mem>>)
      %dma_wait3A_13 = arith.constant 0 : i32
      %dma_wait3A_14 = tpu.memref_slice %arg4[%add3A_4, %dma_wait3A_13] : memref<16384x128xf32, #tpu.memory_space<hbm>> -> memref<512x128xf32, #tpu.memory_space<hbm>>
      %dma_wait3A_15 = arith.constant 0 : i32
      %dma_wait3A_16 = tpu.memref_slice %arg4[%add3A_4, %dma_wait3A_15] : memref<16384x128xf32, #tpu.memory_space<hbm>> -> memref<512x128xf32, #tpu.memory_space<hbm>>
      tpu.wait_dma2 semaphore(%run_scoped3A : memref<!tpu.dma_semaphore, #tpu.memory_space<semaphore_mem>>) src(%arg6 : memref<512x128xf32, #tpu.memory_space<vmem>>) dst(%dma_wait3A_16 : memref<512x128xf32, #tpu.memory_space<hbm>>)
      tpu.yield
    }) : () -> ()
    return
  }
}

#map = affine_map<(d0, d1) -> (0, 0)>
#map1 = affine_map<(d0, d1) -> (0)>
module attributes {stable_mosaic.version = 14 : i64} {
  func.func @_sc_lookup(%arg0: i32, %arg1: i32, %arg2: memref<1025x128xf32, #tpu.memory_space<hbm>>, %arg3: memref<16384xi32, #tpu.memory_space<hbm>>, %arg4: memref<16384x128xf32, #tpu.memory_space<hbm>>, %arg5: memref<512xi32, #tpu.memory_space<vmem>>, %arg6: memref<512x128xf32, #tpu.memory_space<vmem>>, %arg7: memref<!tpu.dma_semaphore, #tpu.memory_space<semaphore_mem>>) attributes {dimension_semantics = [#tpu.dimension_semantics<core_parallel>, #tpu.dimension_semantics<subcore_parallel>], iteration_bounds = array<i64: 2, 16>, scalar_prefetch = 0 : i64, scratch_operands = 3 : i64, tpu.core_type = #tpu.core_type<sc_vector_subcore>, window_params = [{transform_indices = #map}, {transform_indices = #map1}, {transform_indices = #map}]} {
    %mul3A = arith.constant 2 : i32
    %mul3A_0 = arith.muli %arg1, %mul3A : i32
    %add3A = arith.addi %mul3A_0, %arg0 : i32
    %mul3A_1 = arith.constant 512 : i32
    %mul3A_2 = arith.muli %add3A, %mul3A_1 : i32
    %add3A_3 = arith.constant 0 : i32
    %add3A_4 = arith.addi %mul3A_2, %add3A_3 : i32
    "tpu.region"() ({
      %run_scoped3A = tpu.sem_alloc : memref<!tpu.dma_semaphore, #tpu.memory_space<semaphore_mem>>
      %dma_start3A_9 = tpu.memref_slice %arg3[%add3A_4] : memref<16384xi32, #tpu.memory_space<hbm>> -> memref<512xi32, #tpu.memory_space<hbm>>
      %dma_start3A_10 = tpu.memref_slice %arg3[%add3A_4] : memref<16384xi32, #tpu.memory_space<hbm>> -> memref<512xi32, #tpu.memory_space<hbm>>
      tpu.enqueue_dma source(%dma_start3A_10 : memref<512xi32, #tpu.memory_space<hbm>>) target(%arg5 : memref<512xi32, #tpu.memory_space<vmem>>) target_semaphore(%run_scoped3A : memref<!tpu.dma_semaphore, #tpu.memory_space<semaphore_mem>>)
      %dma_wait3A_11 = tpu.memref_slice %arg3[%add3A_4] : memref<16384xi32, #tpu.memory_space<hbm>> -> memref<512xi32, #tpu.memory_space<hbm>>
      %dma_wait3A_12 = tpu.memref_slice %arg3[%add3A_4] : memref<16384xi32, #tpu.memory_space<hbm>> -> memref<512xi32, #tpu.memory_space<hbm>>
      tpu.wait_dma2 semaphore(%run_scoped3A : memref<!tpu.dma_semaphore, #tpu.memory_space<semaphore_mem>>) src(%dma_wait3A_12 : memref<512xi32, #tpu.memory_space<hbm>>) dst(%arg5 : memref<512xi32, #tpu.memory_space<vmem>>)
      tpu.yield
    }) : () -> ()
    %dma_start3A = arith.constant 0 : i32
    %dma_start3A_5 = arith.constant 0 : i32
    %dma_start3A_6 = tpu.memref_slice %arg2[%dma_start3A, %dma_start3A_5] : memref<1025x128xf32, #tpu.memory_space<hbm>> -> memref<1025x128xf32, #tpu.memory_space<hbm>>
    tpu.enqueue_indirect_dma source(%dma_start3A_6 : memref<1025x128xf32, #tpu.memory_space<hbm>>) target(%arg6 : memref<512x128xf32, #tpu.memory_space<vmem>>) offsets(%arg5 : memref<512xi32, #tpu.memory_space<vmem>>) semaphore(%arg7 : memref<!tpu.dma_semaphore, #tpu.memory_space<semaphore_mem>>)
    %dma_wait3A = arith.constant 0 : i32
    %dma_wait3A_7 = arith.constant 0 : i32
    %dma_wait3A_8 = tpu.memref_slice %arg2[%dma_wait3A, %dma_wait3A_7] : memref<1025x128xf32, #tpu.memory_space<hbm>> -> memref<1025x128xf32, #tpu.memory_space<hbm>>
    tpu.wait_indirect_dma semaphore(%arg7 : memref<!tpu.dma_semaphore, #tpu.memory_space<semaphore_mem>>) src(%dma_wait3A_8 : memref<1025x128xf32, #tpu.memory_space<hbm>>) dst(%arg6 : memref<512x128xf32, #tpu.memory_space<vmem>>)
    "tpu.region"() ({
      %run_scoped3A = tpu.sem_alloc : memref<!tpu.dma_semaphore, #tpu.memory_space<semaphore_mem>>
      %dma_start3A_9 = arith.constant 0 : i32
      %dma_start3A_10 = tpu.memref_slice %arg4[%add3A_4, %dma_start3A_9] : memref<16384x128xf32, #tpu.memory_space<hbm>> -> memref<512x128xf32, #tpu.memory_space<hbm>>
      %dma_start3A_11 = arith.constant 0 : i32
      %dma_start3A_12 = tpu.memref_slice %arg4[%add3A_4, %dma_start3A_11] : memref<16384x128xf32, #tpu.memory_space<hbm>> -> memref<512x128xf32, #tpu.memory_space<hbm>>
      tpu.enqueue_dma source(%arg6 : memref<512x128xf32, #tpu.memory_space<vmem>>) target(%dma_start3A_12 : memref<512x128xf32, #tpu.memory_space<hbm>>) target_semaphore(%run_scoped3A : memref<!tpu.dma_semaphore, #tpu.memory_space<semaphore_mem>>)
      %dma_wait3A_13 = arith.constant 0 : i32
      %dma_wait3A_14 = tpu.memref_slice %arg4[%add3A_4, %dma_wait3A_13] : memref<16384x128xf32, #tpu.memory_space<hbm>> -> memref<512x128xf32, #tpu.memory_space<hbm>>
      %dma_wait3A_15 = arith.constant 0 : i32
      %dma_wait3A_16 = tpu.memref_slice %arg4[%add3A_4, %dma_wait3A_15] : memref<16384x128xf32, #tpu.memory_space<hbm>> -> memref<512x128xf32, #tpu.memory_space<hbm>>
      tpu.wait_dma2 semaphore(%run_scoped3A : memref<!tpu.dma_semaphore, #tpu.memory_space<semaphore_mem>>) src(%arg6 : memref<512x128xf32, #tpu.memory_space<vmem>>) dst(%dma_wait3A_16 : memref<512x128xf32, #tpu.memory_space<hbm>>)
      tpu.yield
    }) : () -> ()
    return
  }
}

#map = affine_map<(d0, d1) -> (0, 0)>
#map1 = affine_map<(d0, d1) -> (0)>
module attributes {stable_mosaic.version = 14 : i64} {
  func.func @_sc_lookup(%arg0: i32, %arg1: i32, %arg2: memref<1025x128xf32, #tpu.memory_space<hbm>>, %arg3: memref<16384xi32, #tpu.memory_space<hbm>>, %arg4: memref<16384x128xf32, #tpu.memory_space<hbm>>, %arg5: memref<512xi32, #tpu.memory_space<vmem>>, %arg6: memref<512x128xf32, #tpu.memory_space<vmem>>, %arg7: memref<!tpu.dma_semaphore, #tpu.memory_space<semaphore_mem>>) attributes {dimension_semantics = [#tpu.dimension_semantics<core_parallel>, #tpu.dimension_semantics<subcore_parallel>], iteration_bounds = array<i64: 2, 16>, scalar_prefetch = 0 : i64, scratch_operands = 3 : i64, tpu.core_type = #tpu.core_type<sc_vector_subcore>, window_params = [{transform_indices = #map}, {transform_indices = #map1}, {transform_indices = #map}]} {
    %mul3A = arith.constant 2 : i32
    %mul3A_0 = arith.muli %arg1, %mul3A : i32
    %add3A = arith.addi %mul3A_0, %arg0 : i32
    %mul3A_1 = arith.constant 512 : i32
    %mul3A_2 = arith.muli %add3A, %mul3A_1 : i32
    %add3A_3 = arith.constant 0 : i32
    %add3A_4 = arith.addi %mul3A_2, %add3A_3 : i32
    "tpu.region"() ({
      %run_scoped3A = tpu.sem_alloc : memref<!tpu.dma_semaphore, #tpu.memory_space<semaphore_mem>>
      %dma_start3A_9 = tpu.memref_slice %arg3[%add3A_4] : memref<16384xi32, #tpu.memory_space<hbm>> -> memref<512xi32, #tpu.memory_space<hbm>>
      %dma_start3A_10 = tpu.memref_slice %arg3[%add3A_4] : memref<16384xi32, #tpu.memory_space<hbm>> -> memref<512xi32, #tpu.memory_space<hbm>>
      tpu.enqueue_dma source(%dma_start3A_10 : memref<512xi32, #tpu.memory_space<hbm>>) target(%arg5 : memref<512xi32, #tpu.memory_space<vmem>>) target_semaphore(%run_scoped3A : memref<!tpu.dma_semaphore, #tpu.memory_space<semaphore_mem>>)
      %dma_wait3A_11 = tpu.memref_slice %arg3[%add3A_4] : memref<16384xi32, #tpu.memory_space<hbm>> -> memref<512xi32, #tpu.memory_space<hbm>>
      %dma_wait3A_12 = tpu.memref_slice %arg3[%add3A_4] : memref<16384xi32, #tpu.memory_space<hbm>> -> memref<512xi32, #tpu.memory_space<hbm>>
      tpu.wait_dma2 semaphore(%run_scoped3A : memref<!tpu.dma_semaphore, #tpu.memory_space<semaphore_mem>>) src(%dma_wait3A_12 : memref<512xi32, #tpu.memory_space<hbm>>) dst(%arg5 : memref<512xi32, #tpu.memory_space<vmem>>)
      tpu.yield
    }) : () -> ()
    %dma_start3A = arith.constant 0 : i32
    %dma_start3A_5 = arith.constant 0 : i32
    %dma_start3A_6 = tpu.memref_slice %arg2[%dma_start3A, %dma_start3A_5] : memref<1025x128xf32, #tpu.memory_space<hbm>> -> memref<1025x128xf32, #tpu.memory_space<hbm>>
    tpu.enqueue_indirect_dma source(%dma_start3A_6 : memref<1025x128xf32, #tpu.memory_space<hbm>>) target(%arg6 : memref<512x128xf32, #tpu.memory_space<vmem>>) offsets(%arg5 : memref<512xi32, #tpu.memory_space<vmem>>) semaphore(%arg7 : memref<!tpu.dma_semaphore, #tpu.memory_space<semaphore_mem>>)
    %dma_wait3A = arith.constant 0 : i32
    %dma_wait3A_7 = arith.constant 0 : i32
    %dma_wait3A_8 = tpu.memref_slice %arg2[%dma_wait3A, %dma_wait3A_7] : memref<1025x128xf32, #tpu.memory_space<hbm>> -> memref<1025x128xf32, #tpu.memory_space<hbm>>
    tpu.wait_indirect_dma semaphore(%arg7 : memref<!tpu.dma_semaphore, #tpu.memory_space<semaphore_mem>>) src(%dma_wait3A_8 : memref<1025x128xf32, #tpu.memory_space<hbm>>) dst(%arg6 : memref<512x128xf32, #tpu.memory_space<vmem>>)
    "tpu.region"() ({
      %run_scoped3A = tpu.sem_alloc : memref<!tpu.dma_semaphore, #tpu.memory_space<semaphore_mem>>
      %dma_start3A_9 = arith.constant 0 : i32
      %dma_start3A_10 = tpu.memref_slice %arg4[%add3A_4, %dma_start3A_9] : memref<16384x128xf32, #tpu.memory_space<hbm>> -> memref<512x128xf32, #tpu.memory_space<hbm>>
      %dma_start3A_11 = arith.constant 0 : i32
      %dma_start3A_12 = tpu.memref_slice %arg4[%add3A_4, %dma_start3A_11] : memref<16384x128xf32, #tpu.memory_space<hbm>> -> memref<512x128xf32, #tpu.memory_space<hbm>>
      tpu.enqueue_dma source(%arg6 : memref<512x128xf32, #tpu.memory_space<vmem>>) target(%dma_start3A_12 : memref<512x128xf32, #tpu.memory_space<hbm>>) target_semaphore(%run_scoped3A : memref<!tpu.dma_semaphore, #tpu.memory_space<semaphore_mem>>)
      %dma_wait3A_13 = arith.constant 0 : i32
      %dma_wait3A_14 = tpu.memref_slice %arg4[%add3A_4, %dma_wait3A_13] : memref<16384x128xf32, #tpu.memory_space<hbm>> -> memref<512x128xf32, #tpu.memory_space<hbm>>
      %dma_wait3A_15 = arith.constant 0 : i32
      %dma_wait3A_16 = tpu.memref_slice %arg4[%add3A_4, %dma_wait3A_15] : memref<16384x128xf32, #tpu.memory_space<hbm>> -> memref<512x128xf32, #tpu.memory_space<hbm>>
      tpu.wait_dma2 semaphore(%run_scoped3A : memref<!tpu.dma_semaphore, #tpu.memory_space<semaphore_mem>>) src(%arg6 : memref<512x128xf32, #tpu.memory_space<vmem>>) dst(%dma_wait3A_16 : memref<512x128xf32, #tpu.memory_space<hbm>>)
      tpu.yield
    }) : () -> ()
    return
  }
}

module attributes {stable_mosaic.version = 14 : i64} {
  func.func @_wprep_kernel(%arg0: memref<1024x64xf32, #tpu.memory_space<vmem>>, %arg1: memref<1025x64xf32, #tpu.memory_space<vmem>>, %arg2: memref<1024x66xf32, #tpu.memory_space<vmem>>, %arg3: memref<1025x128xf32, #tpu.memory_space<vmem>>) attributes {dimension_semantics = [], scalar_prefetch = 0 : i64, scratch_operands = 0 : i64, tpu.core_type = #tpu.core_type<tc>} {
    %get3A = arith.constant 0 : index
    %get3A_0 = arith.constant 0 : index
    %get3A_1 = vector.load %arg0[%get3A, %get3A_0] : memref<1024x64xf32, #tpu.memory_space<vmem>>, vector<1024x64xf32>
    %mul3A = arith.mulf %get3A_1, %get3A_1 : vector<1024x64xf32>
    %reduce_sum3A = arith.constant dense<0.000000e+00> : vector<1024xf32>
    %reduce_sum3A_2 = vector.multi_reduction <add>, %mul3A, %reduce_sum3A [1] : vector<1024x64xf32> to vector<1024xf32>
    %broadcast_in_dim3A = vector.shape_cast %reduce_sum3A_2 : vector<1024xf32> to vector<1024x1xf32>
    %sqrt3A = math.sqrt %broadcast_in_dim3A : vector<1024x1xf32>
    %max3A = arith.constant 9.99999996E-13 : f32
    %max3A_3 = vector.broadcast %max3A : f32 to vector<1024x1xf32>
    %max3A_4 = arith.maximumf %sqrt3A, %max3A_3 : vector<1024x1xf32>
    %div3A = vector.broadcast %max3A_4 : vector<1024x1xf32> to vector<1024x64xf32>
    %div3A_5 = arith.divf %get3A_1, %div3A : vector<1024x64xf32>
    %mul3A_6 = arith.mulf %div3A_5, %div3A_5 : vector<1024x64xf32>
    %reduce_sum3A_7 = arith.constant dense<0.000000e+00> : vector<1024xf32>
    %reduce_sum3A_8 = vector.multi_reduction <add>, %mul3A_6, %reduce_sum3A_7 [1] : vector<1024x64xf32> to vector<1024xf32>
    %broadcast_in_dim3A_9 = vector.shape_cast %reduce_sum3A_8 : vector<1024xf32> to vector<1024x1xf32>
    %mul3A_10 = arith.constant -2.000000e+00 : f32
    %mul3A_11 = vector.broadcast %mul3A_10 : f32 to vector<1024x64xf32>
    %mul3A_12 = arith.mulf %mul3A_11, %div3A_5 : vector<1024x64xf32>
    %broadcast_in_dim3A_13 = arith.constant 1.000000e+00 : f32
    %broadcast_in_dim3A_14 = vector.broadcast %broadcast_in_dim3A_13 : f32 to vector<1024x1xf32>
    %concatenate3A = tpu.concatenate %mul3A_12, %broadcast_in_dim3A_9, %broadcast_in_dim3A_14 in 1 : vector<1024x64xf32>, vector<1024x1xf32>, vector<1024x1xf32> -> vector<1024x66xf32>
    %swap3A = arith.constant 0 : index
    %swap3A_15 = arith.constant 0 : index
    %swap3A_16 = vector.load %arg2[%swap3A, %swap3A_15] : memref<1024x66xf32, #tpu.memory_space<vmem>>, vector<1024x66xf32>
    tpu.vector_store %arg2[%swap3A, %swap3A_15], %concatenate3A {strides = array<i32>} : memref<1024x66xf32, #tpu.memory_space<vmem>>, vector<1024x66xf32>,
    %get3A_17 = arith.constant 0 : index
    %get3A_18 = arith.constant 0 : index
    %get3A_19 = vector.load %arg1[%get3A_17, %get3A_18] : memref<1025x64xf32, #tpu.memory_space<vmem>>, vector<1025x64xf32>
    %mul3A_20 = arith.mulf %get3A_19, %get3A_19 : vector<1025x64xf32>
    %reduce_sum3A_21 = arith.constant dense<0.000000e+00> : vector<1025xf32>
    %reduce_sum3A_22 = vector.multi_reduction <add>, %mul3A_20, %reduce_sum3A_21 [1] : vector<1025x64xf32> to vector<1025xf32>
    %broadcast_in_dim3A_23 = vector.shape_cast %reduce_sum3A_22 : vector<1025xf32> to vector<1025x1xf32>
    %sqrt3A_24 = math.sqrt %broadcast_in_dim3A_23 : vector<1025x1xf32>
    %max3A_25 = arith.constant 9.99999996E-13 : f32
    %max3A_26 = vector.broadcast %max3A_25 : f32 to vector<1025x1xf32>
    %max3A_27 = arith.maximumf %sqrt3A_24, %max3A_26 : vector<1025x1xf32>
    %div3A_28 = vector.broadcast %max3A_27 : vector<1025x1xf32> to vector<1025x64xf32>
    %div3A_29 = arith.divf %get3A_19, %div3A_28 : vector<1025x64xf32>
    %broadcast_in_dim3A_30 = arith.constant 0.000000e+00 : f32
    %broadcast_in_dim3A_31 = vector.broadcast %broadcast_in_dim3A_30 : f32 to vector<1025x64xf32>
    %concatenate3A_32 = tpu.concatenate %div3A_29, %broadcast_in_dim3A_31 in 1 : vector<1025x64xf32>, vector<1025x64xf32> -> vector<1025x128xf32>
    %swap3A_33 = arith.constant 0 : index
    %swap3A_34 = arith.constant 0 : index
    %swap3A_35 = vector.load %arg3[%swap3A_33, %swap3A_34] : memref<1025x128xf32, #tpu.memory_space<vmem>>, vector<1025x128xf32>
    tpu.vector_store %arg3[%swap3A_33, %swap3A_34], %concatenate3A_32 {strides = array<i32>} : memref<1025x128xf32, #tpu.memory_space<vmem>>, vector<1025x128xf32>,
    return
  }
}

module attributes {stable_mosaic.version = 14 : i64} {
  func.func @_vq_tile_kernel(%arg0: i32, %arg1: memref<1x64x8192xf32, #tpu.memory_space<vmem>>, %arg2: memref<1024x66xf32, #tpu.memory_space<vmem>>, %arg3: memref<1x1x8192xf32, #tpu.memory_space<vmem>>, %arg4: memref<1x1x8192xi32, #tpu.memory_space<vmem>>) attributes {dimension_semantics = [#tpu.dimension_semantics<parallel>], iteration_bounds = array<i64: 2>, scalar_prefetch = 0 : i64, scratch_operands = 0 : i64, tpu.core_type = #tpu.core_type<tc>, window_params = [{transform_indices = @transform_0, window_bounds = array<i64: 1, 64, 8192>}, {pipeline_mode = #tpu.pipeline_mode<synchronous>, transform_indices = @transform_1, window_bounds = array<i64: 1024, 66>}, {transform_indices = @transform_2, window_bounds = array<i64: 1, 1, 8192>}, {transform_indices = @transform_3, window_bounds = array<i64: 1, 1, 8192>}]} {
    %get3A = arith.constant 0 : index
    %get3A_0 = arith.constant 0 : index
    %get3A_1 = vector.load %arg2[%get3A, %get3A_0] : memref<1024x66xf32, #tpu.memory_space<vmem>>, vector<1024x66xf32>
    %get3A_2 = arith.constant 0 : index
    %get3A_3 = arith.constant 0 : index
    %get3A_4 = arith.constant 0 : index
    %get3A_5 = vector.load %arg1[%get3A_2, %get3A_3, %get3A_4] : memref<1x64x8192xf32, #tpu.memory_space<vmem>>, vector<1x64x8192xf32>
    %get3A_6 = vector.shape_cast %get3A_5 : vector<1x64x8192xf32> to vector<64x8192xf32>
    %mul3A = arith.mulf %get3A_6, %get3A_6 : vector<64x8192xf32>
    %reduce_sum3A = arith.constant dense<0.000000e+00> : vector<8192xf32>
    %reduce_sum3A_7 = vector.multi_reduction <add>, %mul3A, %reduce_sum3A [0] : vector<64x8192xf32> to vector<8192xf32>
    %broadcast_in_dim3A = vector.shape_cast %reduce_sum3A_7 : vector<8192xf32> to vector<1x8192xf32>
    %sqrt3A = math.sqrt %broadcast_in_dim3A : vector<1x8192xf32>
    %max3A = arith.constant 9.99999996E-13 : f32
    %max3A_8 = vector.broadcast %max3A : f32 to vector<1x8192xf32>
    %max3A_9 = arith.maximumf %sqrt3A, %max3A_8 : vector<1x8192xf32>
    %div3A = vector.broadcast %max3A_9 : vector<1x8192xf32> to vector<64x8192xf32>
    %div3A_10 = arith.divf %get3A_6, %div3A : vector<64x8192xf32>
    %mul3A_11 = arith.mulf %div3A_10, %div3A_10 : vector<64x8192xf32>
    %reduce_sum3A_12 = arith.constant dense<0.000000e+00> : vector<8192xf32>
    %reduce_sum3A_13 = vector.multi_reduction <add>, %mul3A_11, %reduce_sum3A_12 [0] : vector<64x8192xf32> to vector<8192xf32>
    %broadcast_in_dim3A_14 = vector.shape_cast %reduce_sum3A_13 : vector<8192xf32> to vector<1x8192xf32>
    %broadcast_in_dim3A_15 = arith.constant 1.000000e+00 : f32
    %broadcast_in_dim3A_16 = vector.broadcast %broadcast_in_dim3A_15 : f32 to vector<1x8192xf32>
    %concatenate3A = tpu.concatenate %div3A_10, %broadcast_in_dim3A_16, %broadcast_in_dim3A_14 in 0 : vector<64x8192xf32>, vector<1x8192xf32>, vector<1x8192xf32> -> vector<66x8192xf32>
    %dot_general3A = arith.constant dense<0.000000e+00> : vector<1024x8192xf32>
    %dot_general3A_17 = tpu.matmul %get3A_1, %concatenate3A, %dot_general3A {dimension_numbers = #tpu.dot_dimension_numbers<[1], [0], [0], [1], [0, 0, 1, 1], [], []>, transpose_lhs_hint = false} : vector<1024x66xf32>, vector<66x8192xf32>, vector<1024x8192xf32> -> vector<1024x8192xf32>
    %argmin3A = tpu.reduce_index %dot_general3A_17 {axis = 0 : i32, kind = #tpu.reduction_kind<arg_min>} : vector<1024x8192xf32> -> vector<8192xi32>
    %reduce_min3A = arith.constant dense<0x7F800000> : vector<8192xf32>
    %reduce_min3A_18 = vector.multi_reduction <minimumf>, %dot_general3A_17, %reduce_min3A [0] : vector<1024x8192xf32> to vector<8192xf32>
    %mul3A_19 = arith.constant 0.01953125 : f32
    %mul3A_20 = vector.broadcast %mul3A_19 : f32 to vector<8192xf32>
    %mul3A_21 = arith.mulf %mul3A_20, %reduce_min3A_18 : vector<8192xf32>
    %swap3A = arith.constant 0 : index
    %swap3A_22 = arith.constant 0 : index
    %swap3A_23 = arith.constant 0 : index
    %swap3A_24 = vector.load %arg3[%swap3A, %swap3A_22, %swap3A_23] : memref<1x1x8192xf32, #tpu.memory_space<vmem>>, vector<1x1x8192xf32>
    %swap3A_25 = vector.shape_cast %swap3A_24 : vector<1x1x8192xf32> to vector<8192xf32>
    %swap3A_26 = vector.shape_cast %mul3A_21 : vector<8192xf32> to vector<1x1x8192xf32>
    tpu.vector_store %arg3[%swap3A, %swap3A_22, %swap3A_23], %swap3A_26 {strides = array<i32>} : memref<1x1x8192xf32, #tpu.memory_space<vmem>>, vector<1x1x8192xf32>,
    %add3A = arith.constant 1 : i32
    %add3A_27 = vector.broadcast %add3A : i32 to vector<8192xi32>
    %add3A_28 = arith.addi %argmin3A, %add3A_27 : vector<8192xi32>
    %swap3A_29 = arith.constant 0 : index
    %swap3A_30 = arith.constant 0 : index
    %swap3A_31 = arith.constant 0 : index
    %swap3A_32 = vector.load %arg4[%swap3A_29, %swap3A_30, %swap3A_31] : memref<1x1x8192xi32, #tpu.memory_space<vmem>>, vector<1x1x8192xi32>
    %swap3A_33 = vector.shape_cast %swap3A_32 : vector<1x1x8192xi32> to vector<8192xi32>
    %swap3A_34 = vector.shape_cast %add3A_28 : vector<8192xi32> to vector<1x1x8192xi32>
    tpu.vector_store %arg4[%swap3A_29, %swap3A_30, %swap3A_31], %swap3A_34 {strides = array<i32>} : memref<1x1x8192xi32, #tpu.memory_space<vmem>>, vector<1x1x8192xi32>,
    return
  }
  func.func @transform_0(%arg0: i32) -> (i32, i32, i32) {
    %c0_i32 = arith.constant 0 : i32
    %c0_i32_0 = arith.constant 0 : i32
    %c0_i32_1 = arith.constant 0 : i32
    return %c0_i32, %c0_i32_0, %arg0 : i32, i32, i32
  }
  func.func @transform_1(%arg0: i32) -> (i32, i32) {
    %c0_i32 = arith.constant 0 : i32
    %c0_i32_0 = arith.constant 0 : i32
    %c0_i32_1 = arith.constant 0 : i32
    return %c0_i32, %c0_i32_0 : i32, i32
  }
  func.func @transform_2(%arg0: i32) -> (i32, i32, i32) {
    %c0_i32 = arith.constant 0 : i32
    %c0_i32_0 = arith.constant 0 : i32
    %c0_i32_1 = arith.constant 0 : i32
    return %c0_i32, %c0_i32_0, %arg0 : i32, i32, i32
  }
  func.func @transform_3(%arg0: i32) -> (i32, i32, i32) {
    %c0_i32 = arith.constant 0 : i32
    %c0_i32_0 = arith.constant 0 : i32
    %c0_i32_1 = arith.constant 0 : i32
    return %c0_i32, %c0_i32_0, %arg0 : i32, i32, i32
  }
}

</mosaic_0001>

<sc_bundles>
// kernel: kernel.11.cloned.1.call-start
scs
__scs_entry_jumppad:
0x0: {  	(pc) =	sbr.rel $0x88, $3  }
0x1: {  	(tag) =	ssettag $0x0;
	lr =	simm.s32 $0x1  }
0x2: {  	[smem:$0x3F9F] =	sst lr;
	_ =	strace $0xD0000000  }
0x3: {  	_ = 	snop  }
0x4: {  	_ = 	snop  }
0x5: {  	_ = 	snop  }
0x6: {  	_ = 	snop  }
0x7: {  	_ = 	snop  }
__scs_overlays_trampoline_lowered:
0x8: {  	[smem:$0x3FAE] =	sst s0  }
0x9: {  	[smem:$0x3FAF] =	sst s1  }
0xa: {  	[smem:$0x3FB0] =	sst s2  }
0xb: {  	[smem:$0x3FB1] =	sst s3  }
0xc: {  	[smem:$0x3FB2] =	sst s4  }
0xd: {  	[smem:$0x3FB3] =	sst s5  }
0xe: {  	[smem:$0x3FB4] =	sst s6  }
0xf: {  	[smem:$0x3FB5] =	sst s7  }
0x10: {  	[smem:$0x3FB6] =	sst s8  }
0x11: {  	[smem:$0x3FB7] =	sst s9;
	s0 =	simm.s32 @!p0 $0x0  }
0x12: {  	s1 =	sld [smem:$0x3F9D];
	s0 =	simm.s32 @p0 $0x1  }
0x13: {  	[smem:$0x3FB8] =	sst s0;
	s0 =	simm.s32 @!p1 $0x0  }
0x14: {  	s2 =	sld [smem:$0x3F9C];
	s0 =	simm.s32 @p1 $0x1  }
0x15: {  	[smem:$0x3FB9] =	sst s0;
	s0 =	simm.s32 @!p2 $0x0  }
0x16: {  	s3 =	sld [smem:$0x3FDB];
	s0 =	simm.s32 @p2 $0x1  }
0x17: {  	s4 =	simm.s32 $0x1BF5;
	[smem:$0x3FBB] =	sst s0  }
0x18: {  	s0 =	sld [smem:$0x3F9E];
	_ =	swait.ge [sflag:s4], $0x0  }
0x19: {  	s7 =	sld [smem:$0x3F9F]  }
0x1a: {  	s8 =	sadd.s32 $0xFFFFE003, lr  }
0x1b: {  	s9 =	sadd.s32 $0xFFFFFEF7, lr;
	s5 =	simm.s32 $0xFFFFFFFF;
	p2 =	slt.u32 s8, $0xFFFFF086  }
0x1c: {  	p1 =	slt.u32 s9, $0xF7A;
	s5 =	simm.s32 @!p2 $0x0  }
0x1d: {  	s5 =	simm.s32 @p1 $0x1;
	p0 =	seq.s32 s7, s2  }
0x1e: {  	s7 =	smul.u32 @!p0 $0xF7A, s2;
	p2 =	seq.s32 @!p0 s5, $0x0  }
0x1f: {  	s9 =	smul.u32 $0xF7A, s1;
	s8 =	simm.s32 @!p0 $0x1BF5;
	p2 =	por !p2, p0  }
0x20: {  	[sflag:s8] =	ssyncset.s32 @!p0 $0xFFFFF086;
	s6 =	sadd.s32 @!p0 s3, s7;
	s7 =	simm.s32 @!p0 $0x108  }
0x21: {  	s3 =	sadd.s32 s3, s9;
	s6 =	sadd.s32 @!p0 $0x88, s6;
	s7 =	simm.s32 @p2 $0x1082  }
0x22: {  	[simem:s7], [sflag:s8] =	dma.local @!p0 [hbm:s6], $0xF7A  }
0x23: {  	s9 =	sor.u32 $0xD0000000, s2;
	s6 =	simm.s32 $0x108;
	_ =	swait.ge @!p0 [sflag:s8], $0x0  }
0x24: {  	s3 =	sadd.s32 $0x88, s3;
	s6 =	simm.s32 @!p1 $0x1082;
	[sflag:s4] =	ssyncset.s32 $0xFFFFF086  }
0x25: {  	[simem:s6], [sflag:s4] =	dma.local [hbm:s3], $0xF7A  }
0x26: {  	[smem:$0x3F9F] =	sst s1;
	(tag) =	ssettag s2;
	_ =	strace s9  }
0x27: {  	s1 =	sld [smem:$0x3FAF]  }
0x28: {  	s2 =	sld [smem:$0x3FB0]  }
0x29: {  	s4 =	sld [smem:$0x3FB2]  }
0x2a: {  	p0 =	seq.s32 s5, $0x0;
	s5 =	sld [smem:$0x3FB3]  }
0x2b: {  	s6 =	sld [smem:$0x3FB4]  }
0x2c: {  	s7 =	sld [smem:$0x3FB5]  }
0x2d: {  	s3 =	simm.s32 $0x108;
	s8 =	sld [smem:$0x3FB6]  }
0x2e: {  	s3 =	simm.s32 @!p0 $0x1082;
	s9 =	sld [smem:$0x3FB7]  }
0x2f: {  	lr =	sadd.s32 s0, s3;
	s0 =	sld [smem:$0x3FAE]  }
0x30: {  	s3 =	sld [smem:$0x3FB1]  }
0x31: {  	[smem:$0x3FBA] =	sst s10  }
0x32: {  	s10 =	sld [smem:$0x3FB8];
	_ =	sdelay $0x3  }
0x33: {  	p0 =	seq.s32 s10, $0x1;
	s10 =	sld [smem:$0x3FBA];
	_ =	sdelay $0x3  }
0x34: {  	[smem:$0x3FBA] =	sst s10  }
0x35: {  	s10 =	sld [smem:$0x3FB9];
	_ =	sdelay $0x3  }
0x36: {  	p1 =	seq.s32 s10, $0x1;
	s10 =	sld [smem:$0x3FBA];
	_ =	sdelay $0x3  }
0x37: {  	[smem:$0x3FBA] =	sst s10  }
0x38: {  	s10 =	sld [smem:$0x3FBB]  }
0x39: {  	_ = 	snop;
	(pc) =	sbr.ind lr, $3  }
0x3a: {  	_ = 	snop  }
0x3b: {  	_ = 	snop  }
0x3c: {  	p2 =	seq.s32 s10, $0x1;
	s10 =	sld [smem:$0x3FBA]  }
0x3d: {  	_ =	shalt  }
0x3e: {  	_ =	shalt  }
0x3f: {  	_ =	shalt  }
0x40: {  	_ =	shalt  }
0x41: {  	_ =	shalt  }
0x42: {  	_ =	shalt  }
0x43: {  	_ =	shalt  }
0x44: {  	_ =	shalt  }
0x45: {  	_ =	shalt  }
0x46: {  	_ =	shalt  }
0x47: {  	_ =	shalt  }
0x48: {  	_ =	shalt  }
0x49: {  	_ =	shalt  }
0x4a: {  	_ =	shalt  }
0x4b: {  	_ =	shalt  }
0x4c: {  	_ =	shalt  }
0x4d: {  	_ =	shalt  }
0x4e: {  	_ =	shalt  }
0x4f: {  	_ =	shalt  }
0x50: {  	_ =	shalt  }
0x51: {  	_ =	shalt  }
0x52: {  	_ =	shalt  }
0x53: {  	_ =	shalt  }
0x54: {  	_ =	shalt  }
0x55: {  	_ =	shalt  }
0x56: {  	_ =	shalt  }
0x57: {  	_ =	shalt  }
0x58: {  	_ =	shalt  }
0x59: {  	_ =	shalt  }
0x5a: {  	_ =	shalt  }
0x5b: {  	_ =	shalt  }
0x5c: {  	_ =	shalt  }
0x5d: {  	_ =	shalt  }
0x5e: {  	_ =	shalt  }
0x5f: {  	_ =	shalt  }
0x60: {  	_ =	shalt  }
0x61: {  	_ =	shalt  }
0x62: {  	_ =	shalt  }
0x63: {  	_ =	shalt  }
0x64: {  	_ =	shalt  }
0x65: {  	_ =	shalt  }
0x66: {  	_ =	shalt  }
0x67: {  	_ =	shalt  }
0x68: {  	_ =	shalt  }
0x69: {  	_ =	shalt  }
0x6a: {  	_ =	shalt  }
0x6b: {  	_ =	shalt  }
0x6c: {  	_ =	shalt  }
0x6d: {  	_ =	shalt  }
0x6e: {  	_ =	shalt  }
0x6f: {  	_ =	shalt  }
0x70: {  	_ =	shalt  }
0x71: {  	_ =	shalt  }
0x72: {  	_ =	shalt  }
0x73: {  	_ =	shalt  }
0x74: {  	_ =	shalt  }
0x75: {  	_ =	shalt  }
0x76: {  	_ =	shalt  }
0x77: {  	_ =	shalt  }
0x78: {  	_ =	shalt  }
0x79: {  	_ =	shalt  }
0x7a: {  	_ =	shalt  }
0x7b: {  	_ =	shalt  }
0x7c: {  	_ =	shalt  }
0x7d: {  	_ =	shalt  }
0x7e: {  	_ =	shalt  }
0x7f: {  	_ =	shalt  }
0x80: {  	_ =	shalt  }
0x81: {  	_ =	shalt  }
0x82: {  	_ =	shalt  }
0x83: {  	_ =	shalt  }
0x84: {  	_ =	shalt  }
0x85: {  	_ =	shalt  }
0x86: {  	_ =	shalt  }
0x87: {  	_ =	shalt  }
.Lfunc_end0:
.L_simem_size_0:
called_computation_lowered:
.L_overlay_start_0:
0x88: {  	s2 =	sld [smem:$0x3FD9]  }
0x89: {  	s3 =	sld [smem:$0x3FFE];
	_ =	sdelay $0x1  }
0x8a: {  	s1 =	srdreg.scid  }
0x8b: {  	s0 =	sand.u32 $0x1, s1  }
0x8c: {  	s15 =	sshll.u32 s0, $0xA;
	s2 =	sadd.s32 s3, s2  }
0x8d: {  	s2 =	sadd.s32 s2, s15  }
0x8e: {  	[smem:$0x3FC6] =	sst s2  }
0x8f: {  	_ = 	snop  }
0x90: {  	s2 =	sld [smem:$0x3FD0];
	_ =	sdelay $0x2  }
0x91: {  	s16 =	simm.s32 $0xD;
	s4 =	simm.s32 $0x10  }
0x92: {  	[smem:s4], [sflag:s16] =	dma.local [hbm:s2], $0x1  }
0x93: {  	_ =	swait.eq [sflag:s16], $0x1  }
0x94: {  	[sflag:s16] =	ssyncset.done $0x0  }
0x95: {  	[sflag:s16] =	ssyncadd.s32 $0xFFFFFFFF  }
0x96: {  	s17 =	sld [smem:$0x10];
	(tm) =	ssettm $0x1  }
0x97: {  	s18 =	sld [smem:$0x3FFB];
	_ =	sdelay $0x3  }
0x98: {  	_ =	strace s18  }
0x99: {  	s2 =	sld [smem:$0x3FFC];
	_ =	sdelay $0x3  }
0x9a: {  	_ =	strace s2  }
0x9b: {  	s2 =	sld [smem:$0x3FFD];
	_ =	sdelay $0x3  }
0x9c: {  	_ =	strace s2  }
0x9d: {  	_ =	strace $0x8FFFFFFF  }
0x9e: {  	s19 =	sld [smem:$0x3FDB];
	_ =	sdelay $0x1  }
0x9f: {  	s20 =	simm.s32 $_scs_section_size  }
0xa0: {  	s5 =	simm.s32 $_size__tile_overlayer_lowered;
	s6 =	simm.s32 $_tile_overlayer_lowered  }
0xa1: {  	s7 =	simm.s32 $0x1BFF;
	s21 =	sshll.u32 s6, $0x1;
	s4 =	sadd.s32 s20, s19  }
0xa2: {  	s22 =	simm.s32 $0x0;
	s5 =	sshll.u32 s5, $0x1;
	s6 =	sadd.s32 s21, s4  }
0xa3: {  	[timem:s22], [sflag:s7] =	dma.local [hbm:s6], s5  }
0xa4: {  	_ =	swait.ge [sflag:s7], s5  }
0xa5: {  	s5 =	ssub.s32 $0x0, s5;
	[sflag:s7] =	ssyncset.done $0x0  }
0xa6: {  	[sflag:s7] =	ssyncadd.s32 s5;
	_ =	sdelay $0x1  }
0xa7: {  	s23 =	simm.s32 $0x1B8B  }
0xa8: {  	_ =	swait.ge [sflag:s23], $0x1  }
0xa9: {  	[sflag:s23] =	ssyncset.done $0x0  }
0xaa: {  	[sflag:s23] =	ssyncadd.s32 $0xFFFFFFFF  }
0xab: {  	s5 =	sld [smem:$0x0]  }
0xac: {  	s6 =	sand.u32 $0xFFFFFFFE, s1  }
0xad: {  	p0 =	sne.s32 s1, s6  }
0xae: {  	s6 =	sshll.u32 @p0 s6, $0xE  }
0xaf: {  	s6 =	sadd.s32 @p0 $0x11B8D, s6;
	s7 =	sshll.u32 @p0 s5, $0x11  }
0xb0: {  	s6 =	sor.u32 @p0 s7, s6  }
0xb1: {  	[sflag:s6] =	ssyncadd.remote.s32 @p0 $0x1;
	_ =	sdelay $0x1  }
0xb2: {  	s6 =	simm.s32 @p0 $0x1B8D  }
0xb3: {  	_ =	swait.eq @p0 [sflag:s6], $0x1  }
0xb4: {  	[sflag:s6] =	ssyncadd.s32 @p0 $0xFFFFFFFF  }
0xb5: {  	s7 =	sshll.u32 @!p0 s1, $0xE  }
0xb6: {  	s7 =	sor.u32 @!p0 $0x4000, s7;
	s6 =	simm.s32 @!p0 $0x1B8D  }
0xb7: {  	s5 =	sshll.u32 @!p0 s5, $0x11;
	s7 =	sadd.s32 @!p0 $0x11B8D, s7;
	_ =	swait.eq @!p0 [sflag:s6], $0x1  }
0xb8: {  	s5 =	sor.u32 @!p0 s5, s7;
	[sflag:s6] =	ssyncadd.s32 @!p0 $0xFFFFFFFF  }
0xb9: {  	s25 =	simm.s32 $0x1B8E;
	s24 =	sld [smem:$0x3FFE];
	[sflag:s5] =	ssyncadd.remote.s32 @!p0 $0x1  }
0xba: {  	s26 =	simm.s32 $execute0_lowered;
	[smem:$0x3FD2] =	sst s25  }
0xbb: {  	s6 =	sshll.u32 s26, $0x1;
	_ =	strace $0x8000004F;
	[dreg:$0x1] =	wrdreg $0xFFFFFFFF  }
0xbc: {  	s28 =	simm.s32 $_size_execute0_lowered;
	s4 =	sadd.s32 s4, s6;
	[dreg:$0x0] =	wrdreg $0x0  }
0xbd: {  	s6 =	sshll.u32 s28, $0x1;
	[dreg:$0x2] =	wrdreg s4  }
0xbe: {  	[dreg:$0x3] =	wrdreg s6  }
0xbf: {  	[dreg:$0x4] =	wrdreg $0xC0  }
0xc0: {  	_ =	task [dreg:s22], $0x5FFFF  }
0xc1: {  	[dreg:$0x1] =	wrdreg $0xFFFFFFFF  }
0xc2: {  	[dreg:$0x0] =	wrdreg $0x60  }
0xc3: {  	[dreg:$0x2] =	wrdreg s17  }
0xc4: {  	[dreg:$0x3] =	wrdreg s24  }
0xc5: {  	[dreg:$0x4] =	wrdreg $0x9  }
0xc6: {  	_ =	task.clear_ibuf [dreg:s22], $0x5FFFF;
	_ =	strace $0x9000004F  }
0xc7: {  	s29 =	simm.s32 $0x9;
	_ =	strace $0x80000051  }
0xc8: {  	_ =	swait.ge [sflag:s29], $0x1  }
0xc9: {  	[sflag:s29] =	ssyncadd.s32 $0xFFFFFFFF  }
0xca: {  	_ =	strace $0x90000051  }
0xcb: {  	_ =	sfence  }
0xcc: {  	s30 =	sld [smem:$0x0];
	_ =	sdelay $0x2  }
0xcd: {  	s31 =	sshll.u32 s1, $0xD;
	s1 =	sshrl.u32 s1, $0x2  }
0xce: {  	s4 =	sand.u32 $0x4000, s31;
	s1 =	sadd.s32 s1, s30  }
0xcf: {  	s0 =	sor.u32 s4, s0;
	s1 =	sshll.u32 s1, $0x11  }
0xd0: {  	s0 =	sor.u32 s1, s0  }
0xd1: {  	s0 =	sadd.s32 $0x8F2B, s0  }
0xd2: {  	[sflag:s0] =	ssyncadd.remote.s32 $0x1  }
0xd3: {  	_ =	sfence.sel $0xFFFF  }
0xd4: {  	[dreg:$0x0] =	wrdreg $0xFFFFFFFF;
	(pc) =	sbr.abs _section_cstart, $3  }
0xd5: {  	[dreg:$0x1] =	wrdreg $0xFFFFFFFF  }
0xd6: {  	_ =	task.clear_ibuf [dreg:s22], $0x2FFFF;
	_ =	strace $0x9FFFFFFF  }
0xd7: {  	(tm) =	ssettm $0x7FFFFFFF  }
tec
execute0_lowered:
.L_overlay_start_1:
0x0: {  	(tag) =	ssettag $0x1  }
0x1: {  	s1 =	srdreg.scid  }
0x2: {  	s0 =	stileid.u32;
	s6 =	sand.u32 $0x1, s1  }
0x3: {  	s2 =	rddreg [dreg:$0x0];
	s30 =	sshll.u32 s0, $0xA;
	s3 =	sshll.u32 s6, $0x9  }
0x4: {  	s8 =	rddreg [dreg:$0x1];
	s7 =	simm.s32 $0x1;
	s9 =	sor.u32 s3, s30  }
0x5: {  	s1 =	rddreg [dreg:$0x2];
	s3 =	simm.s32 $0x0;
	s4 =	sshrl.u32 s9, $0x3  }
0x6: {  	s10 =	ssub.s32 $0x2, s6;
	[smem:$0x7FF] =	sst s3;
	s4 =	sadd.s32 s4, s8  }
0x7: {  	_ =	strace $0x80000050;
	s5 =	sadd.s32 $0xC3C00, s4;
	s4 =	simm.s32 $0x2  }
0x8: {  	[tilespmem:s3], [sflag:$0x2] =	stream.linear.gather [hbm4b:s5+s3], $0x200, $0x38;
	[tilespmem:$0x10200] =	vst v63  }
0x9: {  	s6 =	simm.s32 $0x200;
	s11 =	sshrl.u32 s10, $0x1;
	_ =	swait.ge [sflag:s4], $0x200  }
0xa: {  	s9 =	sshll.u32 s9, $0x4;
	s31 =	ssub.s32 s10, s11;
	[sflag:s4] =	ssyncset.done $0x0  }
0xb: {  	s8 =	sadd.s32 s9, s8;
	s9 =	smax.u32 s31, $0x1;
	[sflag:s4] =	ssyncadd.s32 $0xFFFFFE00  }
0xc: {  	[tilespmem:s6], [sflag:$0x1] =	stream.indirect.gather [hbm4b:s2+s6], $0x80, s3, s6, $0xb8;
	[tilespmem:$0x10200] =	vst v63  }
0xd: {  	p0 =	sne.s32 s9, $0x1;
	_ =	swait.ge [sflag:s7], $0x10000  }
.Ltmp0:
0xe: {  	[sflag:s7] =	ssyncset.done $0x0;
	(pc) =	sbr.rel @!p0 .LBB2_2-.Ltmp0, $4  }
0xf: {  	s8 =	sadd.s32 $0xC4400, s8;
	[sflag:s7] =	ssyncadd.s32 $0xFFFF0000  }
0x10: {  	[hbm4b:s8+s3] =	stream.linear.scatter [tilespmem:s6], [sflag:$0x2], $0x10000, $0x38;
	[tilespmem:$0x10200] =	vst v63  }
0x11: {  	_ =	swait.ge [sflag:s4], $0x10000  }
0x12: {  	s9 =	sadd.s32 $0xFFFFFFFF, s9;
	[sflag:s4] =	ssyncset.done $0x0  }
.LBB2_1:
0x13: {  	p0 =	sne.s32 s9, $0x1;
	s9 =	sadd.s32 $0xFFFFFFFF, s9;
	[sflag:s4] =	ssyncadd.s32 $0xFFFF0000  }
0x14: {  	[tilespmem:s3], [sflag:$0x2] =	stream.linear.gather [hbm4b:s5+s3], $0x200, $0x38;
	[tilespmem:$0x10200] =	vst v63  }
0x15: {  	_ =	swait.ge [sflag:s4], $0x200  }
0x16: {  	[sflag:s4] =	ssyncset.done $0x0  }
0x17: {  	[sflag:s4] =	ssyncadd.s32 $0xFFFFFE00  }
0x18: {  	[tilespmem:s6], [sflag:$0x1] =	stream.indirect.gather [hbm4b:s2+s6], $0x80, s3, s6, $0xb8;
	[tilespmem:$0x10200] =	vst v63  }
0x19: {  	_ =	swait.ge [sflag:s7], $0x10000  }
.Ltmp1:
0x1a: {  	[sflag:s7] =	ssyncset.done $0x0;
	(pc) =	sbr.rel @p0 .LBB2_1-.Ltmp1, $4  }
0x1b: {  	[sflag:s7] =	ssyncadd.s32 $0xFFFF0000  }
0x1c: {  	[hbm4b:s8+s3] =	stream.linear.scatter [tilespmem:s6], [sflag:$0x2], $0x10000, $0x38;
	[tilespmem:$0x10200] =	vst v63  }
0x1d: {  	_ =	swait.ge [sflag:s4], $0x10000  }
0x1e: {  	[sflag:s4] =	ssyncset.done $0x0  }
.LBB2_2:
0x1f: {  	[sflag:s4] =	ssyncadd.s32 $0xFFFF0000  }
0x20: {  	_ =	sfence.sel $0x180000  }
0x21: {  	[bflag:$0x0] =	sbarrier.arrive $0xFFFF  }
0x22: {  	p0 =	sne.s32 s0, $0x0;
	_ =	strace $0x90000050  }
0x23: {  	s0 =	sadd.s32 @!p0 $0x100000, s1;
	[bflag:$0x2] =	sbarrier.arrive $0xFFFF  }
0x24: {  	[sflag:s0] =	ssyncadd.tile.s32 @!p0 $0x1;
	_ =	shalt  }
.Lfunc_end2:
_tile_overlayer_lowered:
.L_overlay_start_2:
0x25: {  	(tag) =	ssettag $0x2  }
0x26: {  	s0 =	rddreg [dreg:$0x0];
	s2 =	stileid.u32  }
0x27: {  	s1 =	rddreg [dreg:$0x1];
	p0 =	sne.s32 s2, $0x0  }
0x28: {  	s3 =	rddreg [dreg:$0x2];
	[bflag:$0x3] =	sbarrier.arrive $0xFFFF;
	s2 =	simm.s32 @!p0 $0x1C02  }
0x29: {  	[timem:s3], [sflag:s2] =	dma.local @!p0 [hbm:s0], s1  }
0x2a: {  	s0 =	simm.s32 @!p0 $0x2  }
0x2b: {  	_ =	swait.ge @!p0 [sflag:s0], s1  }
0x2c: {  	s1 =	ssub.s32 @!p0 $0x0, s1;
	[sflag:s0] =	ssyncset.done @!p0 $0x0  }
0x2d: {  	[sflag:s0] =	ssyncadd.s32 @!p0 s1  }
0x2e: {  	[bflag:$0x3] =	sbarrier.arrive $0xFFFF  }
0x2f: {  	_ =	shalt  }

// kernel: kernel.14.cloned.1.call-start
scs
__scs_entry_jumppad:
0x0: {  	(pc) =	sbr.rel $0x88, $3  }
0x1: {  	(tag) =	ssettag $0x0;
	lr =	simm.s32 $0x1  }
0x2: {  	[smem:$0x3F9F] =	sst lr;
	_ =	strace $0xD0000000  }
0x3: {  	_ = 	snop  }
0x4: {  	_ = 	snop  }
0x5: {  	_ = 	snop  }
0x6: {  	_ = 	snop  }
0x7: {  	_ = 	snop  }
__scs_overlays_trampoline_lowered:
0x8: {  	[smem:$0x3FAE] =	sst s0  }
0x9: {  	[smem:$0x3FAF] =	sst s1  }
0xa: {  	[smem:$0x3FB0] =	sst s2  }
0xb: {  	[smem:$0x3FB1] =	sst s3  }
0xc: {  	[smem:$0x3FB2] =	sst s4  }
0xd: {  	[smem:$0x3FB3] =	sst s5  }
0xe: {  	[smem:$0x3FB4] =	sst s6  }
0xf: {  	[smem:$0x3FB5] =	sst s7  }
0x10: {  	[smem:$0x3FB6] =	sst s8  }
0x11: {  	[smem:$0x3FB7] =	sst s9;
	s0 =	simm.s32 @!p0 $0x0  }
0x12: {  	s1 =	sld [smem:$0x3F9D];
	s0 =	simm.s32 @p0 $0x1  }
0x13: {  	[smem:$0x3FB8] =	sst s0;
	s0 =	simm.s32 @!p1 $0x0  }
0x14: {  	s2 =	sld [smem:$0x3F9C];
	s0 =	simm.s32 @p1 $0x1  }
0x15: {  	[smem:$0x3FB9] =	sst s0;
	s0 =	simm.s32 @!p2 $0x0  }
0x16: {  	s3 =	sld [smem:$0x3FDB];
	s0 =	simm.s32 @p2 $0x1  }
0x17: {  	s4 =	simm.s32 $0x1BF5;
	[smem:$0x3FBB] =	sst s0  }
0x18: {  	s0 =	sld [smem:$0x3F9E];
	_ =	swait.ge [sflag:s4], $0x0  }
0x19: {  	s7 =	sld [smem:$0x3F9F]  }
0x1a: {  	s8 =	sadd.s32 $0xFFFFE003, lr  }
0x1b: {  	s9 =	sadd.s32 $0xFFFFFEF7, lr;
	s5 =	simm.s32 $0xFFFFFFFF;
	p2 =	slt.u32 s8, $0xFFFFF086  }
0x1c: {  	p1 =	slt.u32 s9, $0xF7A;
	s5 =	simm.s32 @!p2 $0x0  }
0x1d: {  	s5 =	simm.s32 @p1 $0x1;
	p0 =	seq.s32 s7, s2  }
0x1e: {  	s7 =	smul.u32 @!p0 $0xF7A, s2;
	p2 =	seq.s32 @!p0 s5, $0x0  }
0x1f: {  	s9 =	smul.u32 $0xF7A, s1;
	s8 =	simm.s32 @!p0 $0x1BF5;
	p2 =	por !p2, p0  }
0x20: {  	[sflag:s8] =	ssyncset.s32 @!p0 $0xFFFFF086;
	s6 =	sadd.s32 @!p0 s3, s7;
	s7 =	simm.s32 @!p0 $0x108  }
0x21: {  	s3 =	sadd.s32 s3, s9;
	s6 =	sadd.s32 @!p0 $0x88, s6;
	s7 =	simm.s32 @p2 $0x1082  }
0x22: {  	[simem:s7], [sflag:s8] =	dma.local @!p0 [hbm:s6], $0xF7A  }
0x23: {  	s9 =	sor.u32 $0xD0000000, s2;
	s6 =	simm.s32 $0x108;
	_ =	swait.ge @!p0 [sflag:s8], $0x0  }
0x24: {  	s3 =	sadd.s32 $0x88, s3;
	s6 =	simm.s32 @!p1 $0x1082;
	[sflag:s4] =	ssyncset.s32 $0xFFFFF086  }
0x25: {  	[simem:s6], [sflag:s4] =	dma.local [hbm:s3], $0xF7A  }
0x26: {  	[smem:$0x3F9F] =	sst s1;
	(tag) =	ssettag s2;
	_ =	strace s9  }
0x27: {  	s1 =	sld [smem:$0x3FAF]  }
0x28: {  	s2 =	sld [smem:$0x3FB0]  }
0x29: {  	s4 =	sld [smem:$0x3FB2]  }
0x2a: {  	p0 =	seq.s32 s5, $0x0;
	s5 =	sld [smem:$0x3FB3]  }
0x2b: {  	s6 =	sld [smem:$0x3FB4]  }
0x2c: {  	s7 =	sld [smem:$0x3FB5]  }
0x2d: {  	s3 =	simm.s32 $0x108;
	s8 =	sld [smem:$0x3FB6]  }
0x2e: {  	s3 =	simm.s32 @!p0 $0x1082;
	s9 =	sld [smem:$0x3FB7]  }
0x2f: {  	lr =	sadd.s32 s0, s3;
	s0 =	sld [smem:$0x3FAE]  }
0x30: {  	s3 =	sld [smem:$0x3FB1]  }
0x31: {  	[smem:$0x3FBA] =	sst s10  }
0x32: {  	s10 =	sld [smem:$0x3FB8];
	_ =	sdelay $0x3  }
0x33: {  	p0 =	seq.s32 s10, $0x1;
	s10 =	sld [smem:$0x3FBA];
	_ =	sdelay $0x3  }
0x34: {  	[smem:$0x3FBA] =	sst s10  }
0x35: {  	s10 =	sld [smem:$0x3FB9];
	_ =	sdelay $0x3  }
0x36: {  	p1 =	seq.s32 s10, $0x1;
	s10 =	sld [smem:$0x3FBA];
	_ =	sdelay $0x3  }
0x37: {  	[smem:$0x3FBA] =	sst s10  }
0x38: {  	s10 =	sld [smem:$0x3FBB]  }
0x39: {  	_ = 	snop;
	(pc) =	sbr.ind lr, $3  }
0x3a: {  	_ = 	snop  }
0x3b: {  	_ = 	snop  }
0x3c: {  	p2 =	seq.s32 s10, $0x1;
	s10 =	sld [smem:$0x3FBA]  }
0x3d: {  	_ =	shalt  }
0x3e: {  	_ =	shalt  }
0x3f: {  	_ =	shalt  }
0x40: {  	_ =	shalt  }
0x41: {  	_ =	shalt  }
0x42: {  	_ =	shalt  }
0x43: {  	_ =	shalt  }
0x44: {  	_ =	shalt  }
0x45: {  	_ =	shalt  }
0x46: {  	_ =	shalt  }
0x47: {  	_ =	shalt  }
0x48: {  	_ =	shalt  }
0x49: {  	_ =	shalt  }
0x4a: {  	_ =	shalt  }
0x4b: {  	_ =	shalt  }
0x4c: {  	_ =	shalt  }
0x4d: {  	_ =	shalt  }
0x4e: {  	_ =	shalt  }
0x4f: {  	_ =	shalt  }
0x50: {  	_ =	shalt  }
0x51: {  	_ =	shalt  }
0x52: {  	_ =	shalt  }
0x53: {  	_ =	shalt  }
0x54: {  	_ =	shalt  }
0x55: {  	_ =	shalt  }
0x56: {  	_ =	shalt  }
0x57: {  	_ =	shalt  }
0x58: {  	_ =	shalt  }
0x59: {  	_ =	shalt  }
0x5a: {  	_ =	shalt  }
0x5b: {  	_ =	shalt  }
0x5c: {  	_ =	shalt  }
0x5d: {  	_ =	shalt  }
0x5e: {  	_ =	shalt  }
0x5f: {  	_ =	shalt  }
0x60: {  	_ =	shalt  }
0x61: {  	_ =	shalt  }
0x62: {  	_ =	shalt  }
0x63: {  	_ =	shalt  }
0x64: {  	_ =	shalt  }
0x65: {  	_ =	shalt  }
0x66: {  	_ =	shalt  }
0x67: {  	_ =	shalt  }
0x68: {  	_ =	shalt  }
0x69: {  	_ =	shalt  }
0x6a: {  	_ =	shalt  }
0x6b: {  	_ =	shalt  }
0x6c: {  	_ =	shalt  }
0x6d: {  	_ =	shalt  }
0x6e: {  	_ =	shalt  }
0x6f: {  	_ =	shalt  }
0x70: {  	_ =	shalt  }
0x71: {  	_ =	shalt  }
0x72: {  	_ =	shalt  }
0x73: {  	_ =	shalt  }
0x74: {  	_ =	shalt  }
0x75: {  	_ =	shalt  }
0x76: {  	_ =	shalt  }
0x77: {  	_ =	shalt  }
0x78: {  	_ =	shalt  }
0x79: {  	_ =	shalt  }
0x7a: {  	_ =	shalt  }
0x7b: {  	_ =	shalt  }
0x7c: {  	_ =	shalt  }
0x7d: {  	_ =	shalt  }
0x7e: {  	_ =	shalt  }
0x7f: {  	_ =	shalt  }
0x80: {  	_ =	shalt  }
0x81: {  	_ =	shalt  }
0x82: {  	_ =	shalt  }
0x83: {  	_ =	shalt  }
0x84: {  	_ =	shalt  }
0x85: {  	_ =	shalt  }
0x86: {  	_ =	shalt  }
0x87: {  	_ =	shalt  }
.Lfunc_end0:
.L_simem_size_0:
called_computation.1_lowered:
.L_overlay_start_0:
0x88: {  	s2 =	sld [smem:$0x3FD9]  }
0x89: {  	s3 =	sld [smem:$0x3FFE];
	_ =	sdelay $0x1  }
0x8a: {  	s1 =	srdreg.scid  }
0x8b: {  	s0 =	sand.u32 $0x1, s1  }
0x8c: {  	s15 =	sshll.u32 s0, $0xA;
	s2 =	sadd.s32 s3, s2  }
0x8d: {  	s2 =	sadd.s32 s2, s15  }
0x8e: {  	[smem:$0x3FC6] =	sst s2  }
0x8f: {  	_ = 	snop  }
0x90: {  	s2 =	sld [smem:$0x3FD0];
	_ =	sdelay $0x2  }
0x91: {  	s16 =	simm.s32 $0xD;
	s4 =	simm.s32 $0x10  }
0x92: {  	[smem:s4], [sflag:s16] =	dma.local [hbm:s2], $0x1  }
0x93: {  	_ =	swait.eq [sflag:s16], $0x1  }
0x94: {  	[sflag:s16] =	ssyncset.done $0x0  }
0x95: {  	[sflag:s16] =	ssyncadd.s32 $0xFFFFFFFF  }
0x96: {  	s17 =	sld [smem:$0x10];
	(tm) =	ssettm $0x1  }
0x97: {  	s18 =	sld [smem:$0x3FFB];
	_ =	sdelay $0x3  }
0x98: {  	_ =	strace s18  }
0x99: {  	s2 =	sld [smem:$0x3FFC];
	_ =	sdelay $0x3  }
0x9a: {  	_ =	strace s2  }
0x9b: {  	s2 =	sld [smem:$0x3FFD];
	_ =	sdelay $0x3  }
0x9c: {  	_ =	strace s2  }
0x9d: {  	_ =	strace $0x8FFFFFFF  }
0x9e: {  	s19 =	sld [smem:$0x3FDB];
	_ =	sdelay $0x1  }
0x9f: {  	s20 =	simm.s32 $_scs_section_size  }
0xa0: {  	s5 =	simm.s32 $_size__tile_overlayer_lowered;
	s6 =	simm.s32 $_tile_overlayer_lowered  }
0xa1: {  	s7 =	simm.s32 $0x1BFF;
	s21 =	sshll.u32 s6, $0x1;
	s4 =	sadd.s32 s20, s19  }
0xa2: {  	s22 =	simm.s32 $0x0;
	s5 =	sshll.u32 s5, $0x1;
	s6 =	sadd.s32 s21, s4  }
0xa3: {  	[timem:s22], [sflag:s7] =	dma.local [hbm:s6], s5  }
0xa4: {  	_ =	swait.ge [sflag:s7], s5  }
0xa5: {  	s5 =	ssub.s32 $0x0, s5;
	[sflag:s7] =	ssyncset.done $0x0  }
0xa6: {  	[sflag:s7] =	ssyncadd.s32 s5;
	_ =	sdelay $0x1  }
0xa7: {  	s23 =	simm.s32 $0x1B8B  }
0xa8: {  	_ =	swait.ge [sflag:s23], $0x1  }
0xa9: {  	[sflag:s23] =	ssyncset.done $0x0  }
0xaa: {  	[sflag:s23] =	ssyncadd.s32 $0xFFFFFFFF  }
0xab: {  	s5 =	sld [smem:$0x0]  }
0xac: {  	s6 =	sand.u32 $0xFFFFFFFE, s1  }
0xad: {  	p0 =	sne.s32 s1, s6  }
0xae: {  	s6 =	sshll.u32 @p0 s6, $0xE  }
0xaf: {  	s6 =	sadd.s32 @p0 $0x11B8D, s6;
	s7 =	sshll.u32 @p0 s5, $0x11  }
0xb0: {  	s6 =	sor.u32 @p0 s7, s6  }
0xb1: {  	[sflag:s6] =	ssyncadd.remote.s32 @p0 $0x1;
	_ =	sdelay $0x1  }
0xb2: {  	s6 =	simm.s32 @p0 $0x1B8D  }
0xb3: {  	_ =	swait.eq @p0 [sflag:s6], $0x1  }
0xb4: {  	[sflag:s6] =	ssyncadd.s32 @p0 $0xFFFFFFFF  }
0xb5: {  	s7 =	sshll.u32 @!p0 s1, $0xE  }
0xb6: {  	s7 =	sor.u32 @!p0 $0x4000, s7;
	s6 =	simm.s32 @!p0 $0x1B8D  }
0xb7: {  	s5 =	sshll.u32 @!p0 s5, $0x11;
	s7 =	sadd.s32 @!p0 $0x11B8D, s7;
	_ =	swait.eq @!p0 [sflag:s6], $0x1  }
0xb8: {  	s5 =	sor.u32 @!p0 s5, s7;
	[sflag:s6] =	ssyncadd.s32 @!p0 $0xFFFFFFFF  }
0xb9: {  	s25 =	simm.s32 $0x1B8E;
	s24 =	sld [smem:$0x3FFE];
	[sflag:s5] =	ssyncadd.remote.s32 @!p0 $0x1  }
0xba: {  	s26 =	simm.s32 $execute0_lowered;
	[smem:$0x3FD2] =	sst s25  }
0xbb: {  	s6 =	sshll.u32 s26, $0x1;
	_ =	strace $0x80000049;
	[dreg:$0x1] =	wrdreg $0xFFFFFFFF  }
0xbc: {  	s28 =	simm.s32 $_size_execute0_lowered;
	s4 =	sadd.s32 s4, s6;
	[dreg:$0x0] =	wrdreg $0x0  }
0xbd: {  	s6 =	sshll.u32 s28, $0x1;
	[dreg:$0x2] =	wrdreg s4  }
0xbe: {  	[dreg:$0x3] =	wrdreg s6  }
0xbf: {  	[dreg:$0x4] =	wrdreg $0xC0  }
0xc0: {  	_ =	task [dreg:s22], $0x5FFFF  }
0xc1: {  	[dreg:$0x1] =	wrdreg $0xFFFFFFFF  }
0xc2: {  	[dreg:$0x0] =	wrdreg $0x60  }
0xc3: {  	[dreg:$0x2] =	wrdreg s17  }
0xc4: {  	[dreg:$0x3] =	wrdreg s24  }
0xc5: {  	[dreg:$0x4] =	wrdreg $0xA  }
0xc6: {  	_ =	task.clear_ibuf [dreg:s22], $0x5FFFF;
	_ =	strace $0x90000049  }
0xc7: {  	s29 =	simm.s32 $0xA;
	_ =	strace $0x8000004B  }
0xc8: {  	_ =	swait.ge [sflag:s29], $0x1  }
0xc9: {  	[sflag:s29] =	ssyncadd.s32 $0xFFFFFFFF  }
0xca: {  	_ =	strace $0x9000004B  }
0xcb: {  	_ =	sfence  }
0xcc: {  	s30 =	sld [smem:$0x0];
	_ =	sdelay $0x2  }
0xcd: {  	s31 =	sshll.u32 s1, $0xD;
	s1 =	sshrl.u32 s1, $0x2  }
0xce: {  	s4 =	sand.u32 $0x4000, s31;
	s1 =	sadd.s32 s1, s30  }
0xcf: {  	s0 =	sor.u32 s4, s0;
	s1 =	sshll.u32 s1, $0x11  }
0xd0: {  	s0 =	sor.u32 s1, s0  }
0xd1: {  	s0 =	sadd.s32 $0x8F2B, s0  }
0xd2: {  	[sflag:s0] =	ssyncadd.remote.s32 $0x1  }
0xd3: {  	_ =	sfence.sel $0xFFFF  }
0xd4: {  	[dreg:$0x0] =	wrdreg $0xFFFFFFFF;
	(pc) =	sbr.abs _section_cstart, $3  }
0xd5: {  	[dreg:$0x1] =	wrdreg $0xFFFFFFFF  }
0xd6: {  	_ =	task.clear_ibuf [dreg:s22], $0x2FFFF;
	_ =	strace $0x9FFFFFFF  }
0xd7: {  	(tm) =	ssettm $0x7FFFFFFF  }
tec
execute0_lowered:
.L_overlay_start_1:
0x0: {  	(tag) =	ssettag $0x1  }
0x1: {  	s1 =	srdreg.scid  }
0x2: {  	s0 =	stileid.u32;
	s6 =	sand.u32 $0x1, s1  }
0x3: {  	s2 =	rddreg [dreg:$0x0];
	s30 =	sshll.u32 s0, $0xA;
	s3 =	sshll.u32 s6, $0x9  }
0x4: {  	s8 =	rddreg [dreg:$0x1];
	s7 =	simm.s32 $0x1;
	s9 =	sor.u32 s3, s30  }
0x5: {  	s1 =	rddreg [dreg:$0x2];
	s3 =	simm.s32 $0x0;
	s4 =	sshrl.u32 s9, $0x3  }
0x6: {  	s10 =	ssub.s32 $0x2, s6;
	[smem:$0x7FF] =	sst s3;
	s4 =	sadd.s32 s4, s8  }
0x7: {  	_ =	strace $0x8000004A;
	s5 =	sadd.s32 $0x42C00, s4;
	s4 =	simm.s32 $0x2  }
0x8: {  	[tilespmem:s3], [sflag:$0x2] =	stream.linear.gather [hbm4b:s5+s3], $0x200, $0x38;
	[tilespmem:$0x10200] =	vst v63  }
0x9: {  	s6 =	simm.s32 $0x200;
	s11 =	sshrl.u32 s10, $0x1;
	_ =	swait.ge [sflag:s4], $0x200  }
0xa: {  	s9 =	sshll.u32 s9, $0x4;
	s31 =	ssub.s32 s10, s11;
	[sflag:s4] =	ssyncset.done $0x0  }
0xb: {  	s8 =	sadd.s32 s9, s8;
	s9 =	smax.u32 s31, $0x1;
	[sflag:s4] =	ssyncadd.s32 $0xFFFFFE00  }
0xc: {  	[tilespmem:s6], [sflag:$0x1] =	stream.indirect.gather [hbm4b:s2+s6], $0x80, s3, s6, $0xb8;
	[tilespmem:$0x10200] =	vst v63  }
0xd: {  	p0 =	sne.s32 s9, $0x1;
	_ =	swait.ge [sflag:s7], $0x10000  }
.Ltmp0:
0xe: {  	[sflag:s7] =	ssyncset.done $0x0;
	(pc) =	sbr.rel @!p0 .LBB2_2-.Ltmp0, $4  }
0xf: {  	s8 =	sadd.s32 $0x43400, s8;
	[sflag:s7] =	ssyncadd.s32 $0xFFFF0000  }
0x10: {  	[hbm4b:s8+s3] =	stream.linear.scatter [tilespmem:s6], [sflag:$0x2], $0x10000, $0x38;
	[tilespmem:$0x10200] =	vst v63  }
0x11: {  	_ =	swait.ge [sflag:s4], $0x10000  }
0x12: {  	s9 =	sadd.s32 $0xFFFFFFFF, s9;
	[sflag:s4] =	ssyncset.done $0x0  }
.LBB2_1:
0x13: {  	p0 =	sne.s32 s9, $0x1;
	s9 =	sadd.s32 $0xFFFFFFFF, s9;
	[sflag:s4] =	ssyncadd.s32 $0xFFFF0000  }
0x14: {  	[tilespmem:s3], [sflag:$0x2] =	stream.linear.gather [hbm4b:s5+s3], $0x200, $0x38;
	[tilespmem:$0x10200] =	vst v63  }
0x15: {  	_ =	swait.ge [sflag:s4], $0x200  }
0x16: {  	[sflag:s4] =	ssyncset.done $0x0  }
0x17: {  	[sflag:s4] =	ssyncadd.s32 $0xFFFFFE00  }
0x18: {  	[tilespmem:s6], [sflag:$0x1] =	stream.indirect.gather [hbm4b:s2+s6], $0x80, s3, s6, $0xb8;
	[tilespmem:$0x10200] =	vst v63  }
0x19: {  	_ =	swait.ge [sflag:s7], $0x10000  }
.Ltmp1:
0x1a: {  	[sflag:s7] =	ssyncset.done $0x0;
	(pc) =	sbr.rel @p0 .LBB2_1-.Ltmp1, $4  }
0x1b: {  	[sflag:s7] =	ssyncadd.s32 $0xFFFF0000  }
0x1c: {  	[hbm4b:s8+s3] =	stream.linear.scatter [tilespmem:s6], [sflag:$0x2], $0x10000, $0x38;
	[tilespmem:$0x10200] =	vst v63  }
0x1d: {  	_ =	swait.ge [sflag:s4], $0x10000  }
0x1e: {  	[sflag:s4] =	ssyncset.done $0x0  }
.LBB2_2:
0x1f: {  	[sflag:s4] =	ssyncadd.s32 $0xFFFF0000  }
0x20: {  	_ =	sfence.sel $0x180000  }
0x21: {  	[bflag:$0x0] =	sbarrier.arrive $0xFFFF  }
0x22: {  	p0 =	sne.s32 s0, $0x0;
	_ =	strace $0x9000004A  }
0x23: {  	s0 =	sadd.s32 @!p0 $0x100000, s1;
	[bflag:$0x2] =	sbarrier.arrive $0xFFFF  }
0x24: {  	[sflag:s0] =	ssyncadd.tile.s32 @!p0 $0x1;
	_ =	shalt  }
.Lfunc_end2:
_tile_overlayer_lowered:
.L_overlay_start_2:
0x25: {  	(tag) =	ssettag $0x2  }
0x26: {  	s0 =	rddreg [dreg:$0x0];
	s2 =	stileid.u32  }
0x27: {  	s1 =	rddreg [dreg:$0x1];
	p0 =	sne.s32 s2, $0x0  }
0x28: {  	s3 =	rddreg [dreg:$0x2];
	[bflag:$0x3] =	sbarrier.arrive $0xFFFF;
	s2 =	simm.s32 @!p0 $0x1C02  }
0x29: {  	[timem:s3], [sflag:s2] =	dma.local @!p0 [hbm:s0], s1  }
0x2a: {  	s0 =	simm.s32 @!p0 $0x2  }
0x2b: {  	_ =	swait.ge @!p0 [sflag:s0], s1  }
0x2c: {  	s1 =	ssub.s32 @!p0 $0x0, s1;
	[sflag:s0] =	ssyncset.done @!p0 $0x0  }
0x2d: {  	[sflag:s0] =	ssyncadd.s32 @!p0 s1  }
0x2e: {  	[bflag:$0x3] =	sbarrier.arrive $0xFFFF  }
0x2f: {  	_ =	shalt  }

// kernel: kernel.17.cloned.1.call-start
scs
__scs_entry_jumppad:
0x0: {  	(pc) =	sbr.rel $0x88, $3  }
0x1: {  	(tag) =	ssettag $0x0;
	lr =	simm.s32 $0x1  }
0x2: {  	[smem:$0x3F9F] =	sst lr;
	_ =	strace $0xD0000000  }
0x3: {  	_ = 	snop  }
0x4: {  	_ = 	snop  }
0x5: {  	_ = 	snop  }
0x6: {  	_ = 	snop  }
0x7: {  	_ = 	snop  }
__scs_overlays_trampoline_lowered:
0x8: {  	[smem:$0x3FAE] =	sst s0  }
0x9: {  	[smem:$0x3FAF] =	sst s1  }
0xa: {  	[smem:$0x3FB0] =	sst s2  }
0xb: {  	[smem:$0x3FB1] =	sst s3  }
0xc: {  	[smem:$0x3FB2] =	sst s4  }
0xd: {  	[smem:$0x3FB3] =	sst s5  }
0xe: {  	[smem:$0x3FB4] =	sst s6  }
0xf: {  	[smem:$0x3FB5] =	sst s7  }
0x10: {  	[smem:$0x3FB6] =	sst s8  }
0x11: {  	[smem:$0x3FB7] =	sst s9;
	s0 =	simm.s32 @!p0 $0x0  }
0x12: {  	s1 =	sld [smem:$0x3F9D];
	s0 =	simm.s32 @p0 $0x1  }
0x13: {  	[smem:$0x3FB8] =	sst s0;
	s0 =	simm.s32 @!p1 $0x0  }
0x14: {  	s2 =	sld [smem:$0x3F9C];
	s0 =	simm.s32 @p1 $0x1  }
0x15: {  	[smem:$0x3FB9] =	sst s0;
	s0 =	simm.s32 @!p2 $0x0  }
0x16: {  	s3 =	sld [smem:$0x3FDB];
	s0 =	simm.s32 @p2 $0x1  }
0x17: {  	s4 =	simm.s32 $0x1BF5;
	[smem:$0x3FBB] =	sst s0  }
0x18: {  	s0 =	sld [smem:$0x3F9E];
	_ =	swait.ge [sflag:s4], $0x0  }
0x19: {  	s7 =	sld [smem:$0x3F9F]  }
0x1a: {  	s8 =	sadd.s32 $0xFFFFE003, lr  }
0x1b: {  	s9 =	sadd.s32 $0xFFFFFEF7, lr;
	s5 =	simm.s32 $0xFFFFFFFF;
	p2 =	slt.u32 s8, $0xFFFFF086  }
0x1c: {  	p1 =	slt.u32 s9, $0xF7A;
	s5 =	simm.s32 @!p2 $0x0  }
0x1d: {  	s5 =	simm.s32 @p1 $0x1;
	p0 =	seq.s32 s7, s2  }
0x1e: {  	s7 =	smul.u32 @!p0 $0xF7A, s2;
	p2 =	seq.s32 @!p0 s5, $0x0  }
0x1f: {  	s9 =	smul.u32 $0xF7A, s1;
	s8 =	simm.s32 @!p0 $0x1BF5;
	p2 =	por !p2, p0  }
0x20: {  	[sflag:s8] =	ssyncset.s32 @!p0 $0xFFFFF086;
	s6 =	sadd.s32 @!p0 s3, s7;
	s7 =	simm.s32 @!p0 $0x108  }
0x21: {  	s3 =	sadd.s32 s3, s9;
	s6 =	sadd.s32 @!p0 $0x88, s6;
	s7 =	simm.s32 @p2 $0x1082  }
0x22: {  	[simem:s7], [sflag:s8] =	dma.local @!p0 [hbm:s6], $0xF7A  }
0x23: {  	s9 =	sor.u32 $0xD0000000, s2;
	s6 =	simm.s32 $0x108;
	_ =	swait.ge @!p0 [sflag:s8], $0x0  }
0x24: {  	s3 =	sadd.s32 $0x88, s3;
	s6 =	simm.s32 @!p1 $0x1082;
	[sflag:s4] =	ssyncset.s32 $0xFFFFF086  }
0x25: {  	[simem:s6], [sflag:s4] =	dma.local [hbm:s3], $0xF7A  }
0x26: {  	[smem:$0x3F9F] =	sst s1;
	(tag) =	ssettag s2;
	_ =	strace s9  }
0x27: {  	s1 =	sld [smem:$0x3FAF]  }
0x28: {  	s2 =	sld [smem:$0x3FB0]  }
0x29: {  	s4 =	sld [smem:$0x3FB2]  }
0x2a: {  	p0 =	seq.s32 s5, $0x0;
	s5 =	sld [smem:$0x3FB3]  }
0x2b: {  	s6 =	sld [smem:$0x3FB4]  }
0x2c: {  	s7 =	sld [smem:$0x3FB5]  }
0x2d: {  	s3 =	simm.s32 $0x108;
	s8 =	sld [smem:$0x3FB6]  }
0x2e: {  	s3 =	simm.s32 @!p0 $0x1082;
	s9 =	sld [smem:$0x3FB7]  }
0x2f: {  	lr =	sadd.s32 s0, s3;
	s0 =	sld [smem:$0x3FAE]  }
0x30: {  	s3 =	sld [smem:$0x3FB1]  }
0x31: {  	[smem:$0x3FBA] =	sst s10  }
0x32: {  	s10 =	sld [smem:$0x3FB8];
	_ =	sdelay $0x3  }
0x33: {  	p0 =	seq.s32 s10, $0x1;
	s10 =	sld [smem:$0x3FBA];
	_ =	sdelay $0x3  }
0x34: {  	[smem:$0x3FBA] =	sst s10  }
0x35: {  	s10 =	sld [smem:$0x3FB9];
	_ =	sdelay $0x3  }
0x36: {  	p1 =	seq.s32 s10, $0x1;
	s10 =	sld [smem:$0x3FBA];
	_ =	sdelay $0x3  }
0x37: {  	[smem:$0x3FBA] =	sst s10  }
0x38: {  	s10 =	sld [smem:$0x3FBB]  }
0x39: {  	_ = 	snop;
	(pc) =	sbr.ind lr, $3  }
0x3a: {  	_ = 	snop  }
0x3b: {  	_ = 	snop  }
0x3c: {  	p2 =	seq.s32 s10, $0x1;
	s10 =	sld [smem:$0x3FBA]  }
0x3d: {  	_ =	shalt  }
0x3e: {  	_ =	shalt  }
0x3f: {  	_ =	shalt  }
0x40: {  	_ =	shalt  }
0x41: {  	_ =	shalt  }
0x42: {  	_ =	shalt  }
0x43: {  	_ =	shalt  }
0x44: {  	_ =	shalt  }
0x45: {  	_ =	shalt  }
0x46: {  	_ =	shalt  }
0x47: {  	_ =	shalt  }
0x48: {  	_ =	shalt  }
0x49: {  	_ =	shalt  }
0x4a: {  	_ =	shalt  }
0x4b: {  	_ =	shalt  }
0x4c: {  	_ =	shalt  }
0x4d: {  	_ =	shalt  }
0x4e: {  	_ =	shalt  }
0x4f: {  	_ =	shalt  }
0x50: {  	_ =	shalt  }
0x51: {  	_ =	shalt  }
0x52: {  	_ =	shalt  }
0x53: {  	_ =	shalt  }
0x54: {  	_ =	shalt  }
0x55: {  	_ =	shalt  }
0x56: {  	_ =	shalt  }
0x57: {  	_ =	shalt  }
0x58: {  	_ =	shalt  }
0x59: {  	_ =	shalt  }
0x5a: {  	_ =	shalt  }
0x5b: {  	_ =	shalt  }
0x5c: {  	_ =	shalt  }
0x5d: {  	_ =	shalt  }
0x5e: {  	_ =	shalt  }
0x5f: {  	_ =	shalt  }
0x60: {  	_ =	shalt  }
0x61: {  	_ =	shalt  }
0x62: {  	_ =	shalt  }
0x63: {  	_ =	shalt  }
0x64: {  	_ =	shalt  }
0x65: {  	_ =	shalt  }
0x66: {  	_ =	shalt  }
0x67: {  	_ =	shalt  }
0x68: {  	_ =	shalt  }
0x69: {  	_ =	shalt  }
0x6a: {  	_ =	shalt  }
0x6b: {  	_ =	shalt  }
0x6c: {  	_ =	shalt  }
0x6d: {  	_ =	shalt  }
0x6e: {  	_ =	shalt  }
0x6f: {  	_ =	shalt  }
0x70: {  	_ =	shalt  }
0x71: {  	_ =	shalt  }
0x72: {  	_ =	shalt  }
0x73: {  	_ =	shalt  }
0x74: {  	_ =	shalt  }
0x75: {  	_ =	shalt  }
0x76: {  	_ =	shalt  }
0x77: {  	_ =	shalt  }
0x78: {  	_ =	shalt  }
0x79: {  	_ =	shalt  }
0x7a: {  	_ =	shalt  }
0x7b: {  	_ =	shalt  }
0x7c: {  	_ =	shalt  }
0x7d: {  	_ =	shalt  }
0x7e: {  	_ =	shalt  }
0x7f: {  	_ =	shalt  }
0x80: {  	_ =	shalt  }
0x81: {  	_ =	shalt  }
0x82: {  	_ =	shalt  }
0x83: {  	_ =	shalt  }
0x84: {  	_ =	shalt  }
0x85: {  	_ =	shalt  }
0x86: {  	_ =	shalt  }
0x87: {  	_ =	shalt  }
.Lfunc_end0:
.L_simem_size_0:
called_computation.2_lowered:
.L_overlay_start_0:
0x88: {  	s2 =	sld [smem:$0x3FD9]  }
0x89: {  	s3 =	sld [smem:$0x3FFE];
	_ =	sdelay $0x1  }
0x8a: {  	s1 =	srdreg.scid  }
0x8b: {  	s0 =	sand.u32 $0x1, s1  }
0x8c: {  	s14 =	sshll.u32 s0, $0xA;
	s2 =	sadd.s32 s3, s2  }
0x8d: {  	s2 =	sadd.s32 s2, s14  }
0x8e: {  	[smem:$0x3FC6] =	sst s2  }
0x8f: {  	_ = 	snop  }
0x90: {  	s2 =	sld [smem:$0x3FD0];
	_ =	sdelay $0x2  }
0x91: {  	s15 =	simm.s32 $0xD;
	s4 =	simm.s32 $0x10  }
0x92: {  	[smem:s4], [sflag:s15] =	dma.local [hbm:s2], $0x1  }
0x93: {  	_ =	swait.eq [sflag:s15], $0x1  }
0x94: {  	[sflag:s15] =	ssyncset.done $0x0  }
0x95: {  	[sflag:s15] =	ssyncadd.s32 $0xFFFFFFFF  }
0x96: {  	s16 =	sld [smem:$0x10];
	(tm) =	ssettm $0x1  }
0x97: {  	s17 =	sld [smem:$0x3FFB];
	_ =	sdelay $0x3  }
0x98: {  	_ =	strace s17  }
0x99: {  	s3 =	sld [smem:$0x3FFC];
	_ =	sdelay $0x3  }
0x9a: {  	_ =	strace s3  }
0x9b: {  	s3 =	sld [smem:$0x3FFD];
	_ =	sdelay $0x3  }
0x9c: {  	_ =	strace s3  }
0x9d: {  	_ =	strace $0x8FFFFFFF  }
0x9e: {  	s18 =	sld [smem:$0x3FDB];
	_ =	sdelay $0x1  }
0x9f: {  	s19 =	simm.s32 $_scs_section_size  }
0xa0: {  	s5 =	simm.s32 $_size__tile_overlayer_lowered;
	s6 =	simm.s32 $_tile_overlayer_lowered  }
0xa1: {  	s22 =	simm.s32 $0x1BFF;
	s21 =	sshll.u32 s6, $0x1;
	s3 =	sadd.s32 s19, s18  }
0xa2: {  	s7 =	simm.s32 $0x0;
	s20 =	sshll.u32 s5, $0x1;
	s5 =	sadd.s32 s21, s3  }
0xa3: {  	[timem:s7], [sflag:s22] =	dma.local [hbm:s5], s20  }
0xa4: {  	_ =	swait.ge [sflag:s22], s20  }
0xa5: {  	s4 =	ssub.s32 $0x0, s20;
	[sflag:s22] =	ssyncset.done $0x0  }
0xa6: {  	[sflag:s22] =	ssyncadd.s32 s4;
	_ =	sdelay $0x1  }
0xa7: {  	s23 =	simm.s32 $0x1B8B  }
0xa8: {  	_ =	swait.ge [sflag:s23], $0x1  }
0xa9: {  	[sflag:s23] =	ssyncset.done $0x0  }
0xaa: {  	s25 =	simm.s32 $0x1B8E;
	s24 =	sld [smem:$0x3FFE];
	[sflag:s23] =	ssyncadd.s32 $0xFFFFFFFF  }
0xab: {  	s26 =	simm.s32 $execute0_lowered;
	[smem:$0x3FD2] =	sst s25  }
0xac: {  	s5 =	sshll.u32 s26, $0x1;
	_ =	strace $0x80000046;
	[dreg:$0x1] =	wrdreg $0xFFFFFFFF  }
0xad: {  	s28 =	simm.s32 $_size_execute0_lowered;
	s3 =	sadd.s32 s3, s5;
	[dreg:$0x0] =	wrdreg $0x0  }
0xae: {  	s5 =	sshll.u32 s28, $0x1;
	[dreg:$0x2] =	wrdreg s3  }
0xaf: {  	[dreg:$0x3] =	wrdreg s5  }
0xb0: {  	[dreg:$0x4] =	wrdreg $0xC0  }
0xb1: {  	_ =	task [dreg:s7], $0x5FFFF  }
0xb2: {  	[dreg:$0x1] =	wrdreg $0xFFFFFFFF  }
0xb3: {  	[dreg:$0x0] =	wrdreg $0x60  }
0xb4: {  	[dreg:$0x2] =	wrdreg s16  }
0xb5: {  	[dreg:$0x3] =	wrdreg s24  }
0xb6: {  	[dreg:$0x4] =	wrdreg $0xB  }
0xb7: {  	_ =	task.clear_ibuf [dreg:s7], $0x5FFFF;
	_ =	strace $0x90000046  }
0xb8: {  	s29 =	simm.s32 $0xB;
	_ =	strace $0x80000048  }
0xb9: {  	_ =	swait.ge [sflag:s29], $0x1  }
0xba: {  	[sflag:s29] =	ssyncadd.s32 $0xFFFFFFFF  }
0xbb: {  	_ =	strace $0x90000048  }
0xbc: {  	_ =	sfence  }
0xbd: {  	s30 =	sld [smem:$0x0];
	_ =	sdelay $0x2  }
0xbe: {  	s31 =	sshll.u32 s1, $0xD;
	s1 =	sshrl.u32 s1, $0x2  }
0xbf: {  	s3 =	sand.u32 $0x4000, s31;
	s1 =	sadd.s32 s1, s30  }
0xc0: {  	s0 =	sor.u32 s3, s0;
	s1 =	sshll.u32 s1, $0x11  }
0xc1: {  	s0 =	sor.u32 s1, s0  }
0xc2: {  	s0 =	sadd.s32 $0x8F2B, s0  }
0xc3: {  	[sflag:s0] =	ssyncadd.remote.s32 $0x1  }
0xc4: {  	_ =	sfence.sel $0xFFFF  }
0xc5: {  	[dreg:$0x0] =	wrdreg $0xFFFFFFFF;
	(pc) =	sbr.abs _section_cstart, $3  }
0xc6: {  	[dreg:$0x1] =	wrdreg $0xFFFFFFFF  }
0xc7: {  	_ =	task.clear_ibuf [dreg:s7], $0x2FFFF;
	_ =	strace $0x9FFFFFFF  }
0xc8: {  	(tm) =	ssettm $0x7FFFFFFF  }
0xc9: {  	_ =	shalt  }
tec
execute0_lowered:
.L_overlay_start_1:
0x0: {  	(tag) =	ssettag $0x1  }
0x1: {  	s1 =	srdreg.scid  }
0x2: {  	s0 =	stileid.u32;
	s6 =	sand.u32 $0x1, s1  }
0x3: {  	s2 =	rddreg [dreg:$0x0];
	s30 =	sshll.u32 s0, $0xA;
	s3 =	sshll.u32 s6, $0x9  }
0x4: {  	s8 =	rddreg [dreg:$0x1];
	s7 =	simm.s32 $0x1;
	s9 =	sor.u32 s3, s30  }
0x5: {  	s1 =	rddreg [dreg:$0x2];
	s3 =	simm.s32 $0x0;
	s4 =	sshrl.u32 s9, $0x3  }
0x6: {  	s10 =	ssub.s32 $0x2, s6;
	[smem:$0x7FF] =	sst s3;
	s4 =	sadd.s32 s4, s8  }
0x7: {  	_ =	strace $0x80000047;
	s5 =	sadd.s32 $0x2400, s4;
	s4 =	simm.s32 $0x2  }
0x8: {  	[tilespmem:s3], [sflag:$0x2] =	stream.linear.gather [hbm4b:s5+s3], $0x200, $0x38;
	[tilespmem:$0x10200] =	vst v63  }
0x9: {  	s6 =	simm.s32 $0x200;
	s11 =	sshrl.u32 s10, $0x1;
	_ =	swait.ge [sflag:s4], $0x200  }
0xa: {  	s9 =	sshll.u32 s9, $0x4;
	s31 =	ssub.s32 s10, s11;
	[sflag:s4] =	ssyncset.done $0x0  }
0xb: {  	s8 =	sadd.s32 s9, s8;
	s9 =	smax.u32 s31, $0x1;
	[sflag:s4] =	ssyncadd.s32 $0xFFFFFE00  }
0xc: {  	[tilespmem:s6], [sflag:$0x1] =	stream.indirect.gather [hbm4b:s2+s6], $0x80, s3, s6, $0xb8;
	[tilespmem:$0x10200] =	vst v63  }
0xd: {  	p0 =	sne.s32 s9, $0x1;
	_ =	swait.ge [sflag:s7], $0x10000  }
.Ltmp0:
0xe: {  	[sflag:s7] =	ssyncset.done $0x0;
	(pc) =	sbr.rel @!p0 .LBB2_2-.Ltmp0, $4  }
0xf: {  	s8 =	sadd.s32 $0x2C00, s8;
	[sflag:s7] =	ssyncadd.s32 $0xFFFF0000  }
0x10: {  	[hbm4b:s8+s3] =	stream.linear.scatter [tilespmem:s6], [sflag:$0x2], $0x10000, $0x38;
	[tilespmem:$0x10200] =	vst v63  }
0x11: {  	_ =	swait.ge [sflag:s4], $0x10000  }
0x12: {  	s9 =	sadd.s32 $0xFFFFFFFF, s9;
	[sflag:s4] =	ssyncset.done $0x0  }
.LBB2_1:
0x13: {  	p0 =	sne.s32 s9, $0x1;
	s9 =	sadd.s32 $0xFFFFFFFF, s9;
	[sflag:s4] =	ssyncadd.s32 $0xFFFF0000  }
0x14: {  	[tilespmem:s3], [sflag:$0x2] =	stream.linear.gather [hbm4b:s5+s3], $0x200, $0x38;
	[tilespmem:$0x10200] =	vst v63  }
0x15: {  	_ =	swait.ge [sflag:s4], $0x200  }
0x16: {  	[sflag:s4] =	ssyncset.done $0x0  }
0x17: {  	[sflag:s4] =	ssyncadd.s32 $0xFFFFFE00  }
0x18: {  	[tilespmem:s6], [sflag:$0x1] =	stream.indirect.gather [hbm4b:s2+s6], $0x80, s3, s6, $0xb8;
	[tilespmem:$0x10200] =	vst v63  }
0x19: {  	_ =	swait.ge [sflag:s7], $0x10000  }
.Ltmp1:
0x1a: {  	[sflag:s7] =	ssyncset.done $0x0;
	(pc) =	sbr.rel @p0 .LBB2_1-.Ltmp1, $4  }
0x1b: {  	[sflag:s7] =	ssyncadd.s32 $0xFFFF0000  }
0x1c: {  	[hbm4b:s8+s3] =	stream.linear.scatter [tilespmem:s6], [sflag:$0x2], $0x10000, $0x38;
	[tilespmem:$0x10200] =	vst v63  }
0x1d: {  	_ =	swait.ge [sflag:s4], $0x10000  }
0x1e: {  	[sflag:s4] =	ssyncset.done $0x0  }
.LBB2_2:
0x1f: {  	[sflag:s4] =	ssyncadd.s32 $0xFFFF0000  }
0x20: {  	_ =	sfence.sel $0x180000  }
0x21: {  	[bflag:$0x0] =	sbarrier.arrive $0xFFFF  }
0x22: {  	p0 =	sne.s32 s0, $0x0;
	_ =	strace $0x90000047  }
0x23: {  	s0 =	sadd.s32 @!p0 $0x100000, s1;
	[bflag:$0x2] =	sbarrier.arrive $0xFFFF  }
0x24: {  	[sflag:s0] =	ssyncadd.tile.s32 @!p0 $0x1;
	_ =	shalt  }
.Lfunc_end2:
_tile_overlayer_lowered:
.L_overlay_start_2:
0x25: {  	(tag) =	ssettag $0x2  }
0x26: {  	s0 =	rddreg [dreg:$0x0];
	s2 =	stileid.u32  }
0x27: {  	s1 =	rddreg [dreg:$0x1];
	p0 =	sne.s32 s2, $0x0  }
0x28: {  	s3 =	rddreg [dreg:$0x2];
	[bflag:$0x3] =	sbarrier.arrive $0xFFFF;
	s2 =	simm.s32 @!p0 $0x1C02  }
0x29: {  	[timem:s3], [sflag:s2] =	dma.local @!p0 [hbm:s0], s1  }
0x2a: {  	s0 =	simm.s32 @!p0 $0x2  }
0x2b: {  	_ =	swait.ge @!p0 [sflag:s0], s1  }
0x2c: {  	s1 =	ssub.s32 @!p0 $0x0, s1;
	[sflag:s0] =	ssyncset.done @!p0 $0x0  }
0x2d: {  	[sflag:s0] =	ssyncadd.s32 @!p0 s1  }
0x2e: {  	[bflag:$0x3] =	sbarrier.arrive $0xFFFF  }
0x2f: {  	_ =	shalt  }

// kernel: kernel.20.cloned.1.call-start
scs
__scs_entry_jumppad:
0x0: {  	(pc) =	sbr.rel $0x88, $3  }
0x1: {  	(tag) =	ssettag $0x0;
	lr =	simm.s32 $0x1  }
0x2: {  	[smem:$0x3F9F] =	sst lr;
	_ =	strace $0xD0000000  }
0x3: {  	_ = 	snop  }
0x4: {  	_ = 	snop  }
0x5: {  	_ = 	snop  }
0x6: {  	_ = 	snop  }
0x7: {  	_ = 	snop  }
__scs_overlays_trampoline_lowered:
0x8: {  	[smem:$0x3FAE] =	sst s0  }
0x9: {  	[smem:$0x3FAF] =	sst s1  }
0xa: {  	[smem:$0x3FB0] =	sst s2  }
0xb: {  	[smem:$0x3FB1] =	sst s3  }
0xc: {  	[smem:$0x3FB2] =	sst s4  }
0xd: {  	[smem:$0x3FB3] =	sst s5  }
0xe: {  	[smem:$0x3FB4] =	sst s6  }
0xf: {  	[smem:$0x3FB5] =	sst s7  }
0x10: {  	[smem:$0x3FB6] =	sst s8  }
0x11: {  	[smem:$0x3FB7] =	sst s9;
	s0 =	simm.s32 @!p0 $0x0  }
0x12: {  	s1 =	sld [smem:$0x3F9D];
	s0 =	simm.s32 @p0 $0x1  }
0x13: {  	[smem:$0x3FB8] =	sst s0;
	s0 =	simm.s32 @!p1 $0x0  }
0x14: {  	s2 =	sld [smem:$0x3F9C];
	s0 =	simm.s32 @p1 $0x1  }
0x15: {  	[smem:$0x3FB9] =	sst s0;
	s0 =	simm.s32 @!p2 $0x0  }
0x16: {  	s3 =	sld [smem:$0x3FDB];
	s0 =	simm.s32 @p2 $0x1  }
0x17: {  	s4 =	simm.s32 $0x1BF5;
	[smem:$0x3FBB] =	sst s0  }
0x18: {  	s0 =	sld [smem:$0x3F9E];
	_ =	swait.ge [sflag:s4], $0x0  }
0x19: {  	s7 =	sld [smem:$0x3F9F]  }
0x1a: {  	s8 =	sadd.s32 $0xFFFFE003, lr  }
0x1b: {  	s9 =	sadd.s32 $0xFFFFFEF7, lr;
	s5 =	simm.s32 $0xFFFFFFFF;
	p2 =	slt.u32 s8, $0xFFFFF086  }
0x1c: {  	p1 =	slt.u32 s9, $0xF7A;
	s5 =	simm.s32 @!p2 $0x0  }
0x1d: {  	s5 =	simm.s32 @p1 $0x1;
	p0 =	seq.s32 s7, s2  }
0x1e: {  	s7 =	smul.u32 @!p0 $0xF7A, s2;
	p2 =	seq.s32 @!p0 s5, $0x0  }
0x1f: {  	s9 =	smul.u32 $0xF7A, s1;
	s8 =	simm.s32 @!p0 $0x1BF5;
	p2 =	por !p2, p0  }
0x20: {  	[sflag:s8] =	ssyncset.s32 @!p0 $0xFFFFF086;
	s6 =	sadd.s32 @!p0 s3, s7;
	s7 =	simm.s32 @!p0 $0x108  }
0x21: {  	s3 =	sadd.s32 s3, s9;
	s6 =	sadd.s32 @!p0 $0x88, s6;
	s7 =	simm.s32 @p2 $0x1082  }
0x22: {  	[simem:s7], [sflag:s8] =	dma.local @!p0 [hbm:s6], $0xF7A  }
0x23: {  	s9 =	sor.u32 $0xD0000000, s2;
	s6 =	simm.s32 $0x108;
	_ =	swait.ge @!p0 [sflag:s8], $0x0  }
0x24: {  	s3 =	sadd.s32 $0x88, s3;
	s6 =	simm.s32 @!p1 $0x1082;
	[sflag:s4] =	ssyncset.s32 $0xFFFFF086  }
0x25: {  	[simem:s6], [sflag:s4] =	dma.local [hbm:s3], $0xF7A  }
0x26: {  	[smem:$0x3F9F] =	sst s1;
	(tag) =	ssettag s2;
	_ =	strace s9  }
0x27: {  	s1 =	sld [smem:$0x3FAF]  }
0x28: {  	s2 =	sld [smem:$0x3FB0]  }
0x29: {  	s4 =	sld [smem:$0x3FB2]  }
0x2a: {  	p0 =	seq.s32 s5, $0x0;
	s5 =	sld [smem:$0x3FB3]  }
0x2b: {  	s6 =	sld [smem:$0x3FB4]  }
0x2c: {  	s7 =	sld [smem:$0x3FB5]  }
0x2d: {  	s3 =	simm.s32 $0x108;
	s8 =	sld [smem:$0x3FB6]  }
0x2e: {  	s3 =	simm.s32 @!p0 $0x1082;
	s9 =	sld [smem:$0x3FB7]  }
0x2f: {  	lr =	sadd.s32 s0, s3;
	s0 =	sld [smem:$0x3FAE]  }
0x30: {  	s3 =	sld [smem:$0x3FB1]  }
0x31: {  	[smem:$0x3FBA] =	sst s10  }
0x32: {  	s10 =	sld [smem:$0x3FB8];
	_ =	sdelay $0x3  }
0x33: {  	p0 =	seq.s32 s10, $0x1;
	s10 =	sld [smem:$0x3FBA];
	_ =	sdelay $0x3  }
0x34: {  	[smem:$0x3FBA] =	sst s10  }
0x35: {  	s10 =	sld [smem:$0x3FB9];
	_ =	sdelay $0x3  }
0x36: {  	p1 =	seq.s32 s10, $0x1;
	s10 =	sld [smem:$0x3FBA];
	_ =	sdelay $0x3  }
0x37: {  	[smem:$0x3FBA] =	sst s10  }
0x38: {  	s10 =	sld [smem:$0x3FBB]  }
0x39: {  	_ = 	snop;
	(pc) =	sbr.ind lr, $3  }
0x3a: {  	_ = 	snop  }
0x3b: {  	_ = 	snop  }
0x3c: {  	p2 =	seq.s32 s10, $0x1;
	s10 =	sld [smem:$0x3FBA]  }
0x3d: {  	_ =	shalt  }
0x3e: {  	_ =	shalt  }
0x3f: {  	_ =	shalt  }
0x40: {  	_ =	shalt  }
0x41: {  	_ =	shalt  }
0x42: {  	_ =	shalt  }
0x43: {  	_ =	shalt  }
0x44: {  	_ =	shalt  }
0x45: {  	_ =	shalt  }
0x46: {  	_ =	shalt  }
0x47: {  	_ =	shalt  }
0x48: {  	_ =	shalt  }
0x49: {  	_ =	shalt  }
0x4a: {  	_ =	shalt  }
0x4b: {  	_ =	shalt  }
0x4c: {  	_ =	shalt  }
0x4d: {  	_ =	shalt  }
0x4e: {  	_ =	shalt  }
0x4f: {  	_ =	shalt  }
0x50: {  	_ =	shalt  }
0x51: {  	_ =	shalt  }
0x52: {  	_ =	shalt  }
0x53: {  	_ =	shalt  }
0x54: {  	_ =	shalt  }
0x55: {  	_ =	shalt  }
0x56: {  	_ =	shalt  }
0x57: {  	_ =	shalt  }
0x58: {  	_ =	shalt  }
0x59: {  	_ =	shalt  }
0x5a: {  	_ =	shalt  }
0x5b: {  	_ =	shalt  }
0x5c: {  	_ =	shalt  }
0x5d: {  	_ =	shalt  }
0x5e: {  	_ =	shalt  }
0x5f: {  	_ =	shalt  }
0x60: {  	_ =	shalt  }
0x61: {  	_ =	shalt  }
0x62: {  	_ =	shalt  }
0x63: {  	_ =	shalt  }
0x64: {  	_ =	shalt  }
0x65: {  	_ =	shalt  }
0x66: {  	_ =	shalt  }
0x67: {  	_ =	shalt  }
0x68: {  	_ =	shalt  }
0x69: {  	_ =	shalt  }
0x6a: {  	_ =	shalt  }
0x6b: {  	_ =	shalt  }
0x6c: {  	_ =	shalt  }
0x6d: {  	_ =	shalt  }
0x6e: {  	_ =	shalt  }
0x6f: {  	_ =	shalt  }
0x70: {  	_ =	shalt  }
0x71: {  	_ =	shalt  }
0x72: {  	_ =	shalt  }
0x73: {  	_ =	shalt  }
0x74: {  	_ =	shalt  }
0x75: {  	_ =	shalt  }
0x76: {  	_ =	shalt  }
0x77: {  	_ =	shalt  }
0x78: {  	_ =	shalt  }
0x79: {  	_ =	shalt  }
0x7a: {  	_ =	shalt  }
0x7b: {  	_ =	shalt  }
0x7c: {  	_ =	shalt  }
0x7d: {  	_ =	shalt  }
0x7e: {  	_ =	shalt  }
0x7f: {  	_ =	shalt  }
0x80: {  	_ =	shalt  }
0x81: {  	_ =	shalt  }
0x82: {  	_ =	shalt  }
0x83: {  	_ =	shalt  }
0x84: {  	_ =	shalt  }
0x85: {  	_ =	shalt  }
0x86: {  	_ =	shalt  }
0x87: {  	_ =	shalt  }
.Lfunc_end0:
.L_simem_size_0:
called_computation.3_lowered:
.L_overlay_start_0:
0x88: {  	s2 =	sld [smem:$0x3FD9]  }
0x89: {  	s3 =	sld [smem:$0x3FFE];
	_ =	sdelay $0x1  }
0x8a: {  	s1 =	srdreg.scid  }
0x8b: {  	s0 =	sand.u32 $0x1, s1  }
0x8c: {  	s15 =	sshll.u32 s0, $0xA;
	s2 =	sadd.s32 s3, s2  }
0x8d: {  	s2 =	sadd.s32 s2, s15  }
0x8e: {  	[smem:$0x3FC6] =	sst s2  }
0x8f: {  	_ = 	snop  }
0x90: {  	s2 =	sld [smem:$0x3FD0];
	_ =	sdelay $0x2  }
0x91: {  	s16 =	simm.s32 $0xD;
	s4 =	simm.s32 $0x10  }
0x92: {  	[smem:s4], [sflag:s16] =	dma.local [hbm:s2], $0x1  }
0x93: {  	_ =	swait.eq [sflag:s16], $0x1  }
0x94: {  	[sflag:s16] =	ssyncset.done $0x0  }
0x95: {  	[sflag:s16] =	ssyncadd.s32 $0xFFFFFFFF  }
0x96: {  	s17 =	sld [smem:$0x10];
	(tm) =	ssettm $0x1  }
0x97: {  	s18 =	sld [smem:$0x3FFB];
	_ =	sdelay $0x3  }
0x98: {  	_ =	strace s18  }
0x99: {  	s2 =	sld [smem:$0x3FFC];
	_ =	sdelay $0x3  }
0x9a: {  	_ =	strace s2  }
0x9b: {  	s2 =	sld [smem:$0x3FFD];
	_ =	sdelay $0x3  }
0x9c: {  	_ =	strace s2  }
0x9d: {  	_ =	strace $0x8FFFFFFF  }
0x9e: {  	s19 =	sld [smem:$0x3FDB];
	_ =	sdelay $0x1  }
0x9f: {  	s20 =	simm.s32 $_scs_section_size  }
0xa0: {  	s5 =	simm.s32 $_size__tile_overlayer_lowered;
	s6 =	simm.s32 $_tile_overlayer_lowered  }
0xa1: {  	s7 =	simm.s32 $0x1BFF;
	s21 =	sshll.u32 s6, $0x1;
	s4 =	sadd.s32 s20, s19  }
0xa2: {  	s22 =	simm.s32 $0x0;
	s5 =	sshll.u32 s5, $0x1;
	s6 =	sadd.s32 s21, s4  }
0xa3: {  	[timem:s22], [sflag:s7] =	dma.local [hbm:s6], s5  }
0xa4: {  	_ =	swait.ge [sflag:s7], s5  }
0xa5: {  	s5 =	ssub.s32 $0x0, s5;
	[sflag:s7] =	ssyncset.done $0x0  }
0xa6: {  	[sflag:s7] =	ssyncadd.s32 s5;
	_ =	sdelay $0x1  }
0xa7: {  	s23 =	simm.s32 $0x1B8B  }
0xa8: {  	_ =	swait.ge [sflag:s23], $0x1  }
0xa9: {  	[sflag:s23] =	ssyncset.done $0x0  }
0xaa: {  	[sflag:s23] =	ssyncadd.s32 $0xFFFFFFFF  }
0xab: {  	s5 =	sld [smem:$0x0]  }
0xac: {  	s6 =	sand.u32 $0xFFFFFFFE, s1  }
0xad: {  	p0 =	sne.s32 s1, s6  }
0xae: {  	s6 =	sshll.u32 @p0 s6, $0xE  }
0xaf: {  	s6 =	sadd.s32 @p0 $0x11B8D, s6;
	s7 =	sshll.u32 @p0 s5, $0x11  }
0xb0: {  	s6 =	sor.u32 @p0 s7, s6  }
0xb1: {  	[sflag:s6] =	ssyncadd.remote.s32 @p0 $0x1;
	_ =	sdelay $0x1  }
0xb2: {  	s6 =	simm.s32 @p0 $0x1B8D  }
0xb3: {  	_ =	swait.eq @p0 [sflag:s6], $0x1  }
0xb4: {  	[sflag:s6] =	ssyncadd.s32 @p0 $0xFFFFFFFF  }
0xb5: {  	s7 =	sshll.u32 @!p0 s1, $0xE  }
0xb6: {  	s7 =	sor.u32 @!p0 $0x4000, s7;
	s6 =	simm.s32 @!p0 $0x1B8D  }
0xb7: {  	s5 =	sshll.u32 @!p0 s5, $0x11;
	s7 =	sadd.s32 @!p0 $0x11B8D, s7;
	_ =	swait.eq @!p0 [sflag:s6], $0x1  }
0xb8: {  	s5 =	sor.u32 @!p0 s5, s7;
	[sflag:s6] =	ssyncadd.s32 @!p0 $0xFFFFFFFF  }
0xb9: {  	s25 =	simm.s32 $0x1B8E;
	s24 =	sld [smem:$0x3FFE];
	[sflag:s5] =	ssyncadd.remote.s32 @!p0 $0x1  }
0xba: {  	s26 =	simm.s32 $execute0_lowered;
	[smem:$0x3FD2] =	sst s25  }
0xbb: {  	s6 =	sshll.u32 s26, $0x1;
	_ =	strace $0x8000004C;
	[dreg:$0x1] =	wrdreg $0xFFFFFFFF  }
0xbc: {  	s28 =	simm.s32 $_size_execute0_lowered;
	s4 =	sadd.s32 s4, s6;
	[dreg:$0x0] =	wrdreg $0x0  }
0xbd: {  	s6 =	sshll.u32 s28, $0x1;
	[dreg:$0x2] =	wrdreg s4  }
0xbe: {  	[dreg:$0x3] =	wrdreg s6  }
0xbf: {  	[dreg:$0x4] =	wrdreg $0xC0  }
0xc0: {  	_ =	task [dreg:s22], $0x5FFFF  }
0xc1: {  	[dreg:$0x1] =	wrdreg $0xFFFFFFFF  }
0xc2: {  	[dreg:$0x0] =	wrdreg $0x60  }
0xc3: {  	[dreg:$0x2] =	wrdreg s17  }
0xc4: {  	[dreg:$0x3] =	wrdreg s24  }
0xc5: {  	[dreg:$0x4] =	wrdreg $0xC  }
0xc6: {  	_ =	task.clear_ibuf [dreg:s22], $0x5FFFF;
	_ =	strace $0x9000004C  }
0xc7: {  	s29 =	simm.s32 $0xC;
	_ =	strace $0x8000004E  }
0xc8: {  	_ =	swait.ge [sflag:s29], $0x1  }
0xc9: {  	[sflag:s29] =	ssyncadd.s32 $0xFFFFFFFF  }
0xca: {  	_ =	strace $0x9000004E  }
0xcb: {  	_ =	sfence  }
0xcc: {  	s30 =	sld [smem:$0x0];
	_ =	sdelay $0x2  }
0xcd: {  	s31 =	sshll.u32 s1, $0xD;
	s1 =	sshrl.u32 s1, $0x2  }
0xce: {  	s4 =	sand.u32 $0x4000, s31;
	s1 =	sadd.s32 s1, s30  }
0xcf: {  	s0 =	sor.u32 s4, s0;
	s1 =	sshll.u32 s1, $0x11  }
0xd0: {  	s0 =	sor.u32 s1, s0  }
0xd1: {  	s0 =	sadd.s32 $0x8F2B, s0  }
0xd2: {  	[sflag:s0] =	ssyncadd.remote.s32 $0x1  }
0xd3: {  	_ =	sfence.sel $0xFFFF  }
0xd4: {  	[dreg:$0x0] =	wrdreg $0xFFFFFFFF;
	(pc) =	sbr.abs _section_cstart, $3  }
0xd5: {  	[dreg:$0x1] =	wrdreg $0xFFFFFFFF  }
0xd6: {  	_ =	task.clear_ibuf [dreg:s22], $0x2FFFF;
	_ =	strace $0x9FFFFFFF  }
0xd7: {  	(tm) =	ssettm $0x7FFFFFFF  }
tec
execute0_lowered:
.L_overlay_start_1:
0x0: {  	(tag) =	ssettag $0x1  }
0x1: {  	s1 =	srdreg.scid  }
0x2: {  	s0 =	stileid.u32;
	s6 =	sand.u32 $0x1, s1  }
0x3: {  	s2 =	rddreg [dreg:$0x0];
	s30 =	sshll.u32 s0, $0xA;
	s3 =	sshll.u32 s6, $0x9  }
0x4: {  	s8 =	rddreg [dreg:$0x1];
	s7 =	simm.s32 $0x1;
	s9 =	sor.u32 s3, s30  }
0x5: {  	s1 =	rddreg [dreg:$0x2];
	s3 =	simm.s32 $0x0;
	s4 =	sshrl.u32 s9, $0x3  }
0x6: {  	s10 =	ssub.s32 $0x2, s6;
	[smem:$0x7FF] =	sst s3;
	s4 =	sadd.s32 s4, s8  }
0x7: {  	_ =	strace $0x8000004D;
	s5 =	sadd.s32 $0x83400, s4;
	s4 =	simm.s32 $0x2  }
0x8: {  	[tilespmem:s3], [sflag:$0x2] =	stream.linear.gather [hbm4b:s5+s3], $0x200, $0x38;
	[tilespmem:$0x10200] =	vst v63  }
0x9: {  	s6 =	simm.s32 $0x200;
	s11 =	sshrl.u32 s10, $0x1;
	_ =	swait.ge [sflag:s4], $0x200  }
0xa: {  	s9 =	sshll.u32 s9, $0x4;
	s31 =	ssub.s32 s10, s11;
	[sflag:s4] =	ssyncset.done $0x0  }
0xb: {  	s8 =	sadd.s32 s9, s8;
	s9 =	smax.u32 s31, $0x1;
	[sflag:s4] =	ssyncadd.s32 $0xFFFFFE00  }
0xc: {  	[tilespmem:s6], [sflag:$0x1] =	stream.indirect.gather [hbm4b:s2+s6], $0x80, s3, s6, $0xb8;
	[tilespmem:$0x10200] =	vst v63  }
0xd: {  	p0 =	sne.s32 s9, $0x1;
	_ =	swait.ge [sflag:s7], $0x10000  }
.Ltmp0:
0xe: {  	[sflag:s7] =	ssyncset.done $0x0;
	(pc) =	sbr.rel @!p0 .LBB2_2-.Ltmp0, $4  }
0xf: {  	s8 =	sadd.s32 $0x83C00, s8;
	[sflag:s7] =	ssyncadd.s32 $0xFFFF0000  }
0x10: {  	[hbm4b:s8+s3] =	stream.linear.scatter [tilespmem:s6], [sflag:$0x2], $0x10000, $0x38;
	[tilespmem:$0x10200] =	vst v63  }
0x11: {  	_ =	swait.ge [sflag:s4], $0x10000  }
0x12: {  	s9 =	sadd.s32 $0xFFFFFFFF, s9;
	[sflag:s4] =	ssyncset.done $0x0  }
.LBB2_1:
0x13: {  	p0 =	sne.s32 s9, $0x1;
	s9 =	sadd.s32 $0xFFFFFFFF, s9;
	[sflag:s4] =	ssyncadd.s32 $0xFFFF0000  }
0x14: {  	[tilespmem:s3], [sflag:$0x2] =	stream.linear.gather [hbm4b:s5+s3], $0x200, $0x38;
	[tilespmem:$0x10200] =	vst v63  }
0x15: {  	_ =	swait.ge [sflag:s4], $0x200  }
0x16: {  	[sflag:s4] =	ssyncset.done $0x0  }
0x17: {  	[sflag:s4] =	ssyncadd.s32 $0xFFFFFE00  }
0x18: {  	[tilespmem:s6], [sflag:$0x1] =	stream.indirect.gather [hbm4b:s2+s6], $0x80, s3, s6, $0xb8;
	[tilespmem:$0x10200] =	vst v63  }
0x19: {  	_ =	swait.ge [sflag:s7], $0x10000  }
.Ltmp1:
0x1a: {  	[sflag:s7] =	ssyncset.done $0x0;
	(pc) =	sbr.rel @p0 .LBB2_1-.Ltmp1, $4  }
0x1b: {  	[sflag:s7] =	ssyncadd.s32 $0xFFFF0000  }
0x1c: {  	[hbm4b:s8+s3] =	stream.linear.scatter [tilespmem:s6], [sflag:$0x2], $0x10000, $0x38;
	[tilespmem:$0x10200] =	vst v63  }
0x1d: {  	_ =	swait.ge [sflag:s4], $0x10000  }
0x1e: {  	[sflag:s4] =	ssyncset.done $0x0  }
.LBB2_2:
0x1f: {  	[sflag:s4] =	ssyncadd.s32 $0xFFFF0000  }
0x20: {  	_ =	sfence.sel $0x180000  }
0x21: {  	[bflag:$0x0] =	sbarrier.arrive $0xFFFF  }
0x22: {  	p0 =	sne.s32 s0, $0x0;
	_ =	strace $0x9000004D  }
0x23: {  	s0 =	sadd.s32 @!p0 $0x100000, s1;
	[bflag:$0x2] =	sbarrier.arrive $0xFFFF  }
0x24: {  	[sflag:s0] =	ssyncadd.tile.s32 @!p0 $0x1;
	_ =	shalt  }
.Lfunc_end2:
_tile_overlayer_lowered:
.L_overlay_start_2:
0x25: {  	(tag) =	ssettag $0x2  }
0x26: {  	s0 =	rddreg [dreg:$0x0];
	s2 =	stileid.u32  }
0x27: {  	s1 =	rddreg [dreg:$0x1];
	p0 =	sne.s32 s2, $0x0  }
0x28: {  	s3 =	rddreg [dreg:$0x2];
	[bflag:$0x3] =	sbarrier.arrive $0xFFFF;
	s2 =	simm.s32 @!p0 $0x1C02  }
0x29: {  	[timem:s3], [sflag:s2] =	dma.local @!p0 [hbm:s0], s1  }
0x2a: {  	s0 =	simm.s32 @!p0 $0x2  }
0x2b: {  	_ =	swait.ge @!p0 [sflag:s0], s1  }
0x2c: {  	s1 =	ssub.s32 @!p0 $0x0, s1;
	[sflag:s0] =	ssyncset.done @!p0 $0x0  }
0x2d: {  	[sflag:s0] =	ssyncadd.s32 @!p0 s1  }
0x2e: {  	[bflag:$0x3] =	sbarrier.arrive $0xFFFF  }
0x2f: {  	_ =	shalt  }

</sc_bundles>
